<compile_context>
chip_gen: v7x
topology: tpu7x:2x2x1
jax: 0.10.2.dev20260603
libtpu: 0.0.44.dev20260713+nightly
codegen_flags: <defaults>
</compile_context>

<pallas_src>
import functools

import numpy as np
import jax
import jax.numpy as jnp
from jax import lax
from jax.experimental import pallas as pl
from jax.experimental.pallas import tpu as pltpu
from jax.experimental.pallas import tpu_sc as plsc


def _sinusoidal_pe_np(max_len, d_model):
    position = np.arange(max_len, dtype=np.float32)[:, None]
    div_term = np.exp(np.arange(0, d_model, 2, dtype=np.float32) * (-np.log(10000.0) / d_model))
    pe = np.zeros((max_len, d_model), dtype=np.float32)
    pe[:, 0::2] = np.sin(position * div_term)
    pe[:, 1::2] = np.cos(position * div_term)
    return pe


_PE = _sinusoidal_pe_np(512, 32)

_BT = 256


def _scores_body(pwcw_ref, pe_ref, x_ref, psig_ref, csig_ref, scores_ref):
    pw = jax.nn.sigmoid(pwcw_ref[0])
    cw = jax.nn.sigmoid(pwcw_ref[1])
    total = pw + cw
    pw = pw / total
    cw = cw / total
    address = jnp.concatenate([pw * pe_ref[...], cw * x_ref[...]], axis=1)
    sigs_t = jnp.concatenate(
        [jnp.sign(psig_ref[...]).T, jnp.sign(csig_ref[...]).T], axis=0)
    scores_ref[...] = jnp.dot(address, sigs_t,
                              preferred_element_type=jnp.float32)


def _run_scores(pwcw, pe_t, xf, pos_sig, content_sig):
    T, _ = xf.shape
    E = pos_sig.shape[0]
    return pl.pallas_call(
        _scores_body,
        in_specs=[
            pl.BlockSpec(memory_space=pltpu.SMEM),
            pl.BlockSpec(memory_space=pltpu.VMEM),
            pl.BlockSpec(memory_space=pltpu.VMEM),
            pl.BlockSpec(memory_space=pltpu.VMEM),
            pl.BlockSpec(memory_space=pltpu.VMEM),
        ],
        out_shape=jax.ShapeDtypeStruct((T, E), jnp.float32),
    )(pwcw, pe_t, xf, pos_sig, content_sig)


def _plan_body(idx_in_ref, dest_ref, offs_ref, pi_ref, pe_ref, vv_ref, ff_ref):
    T = idx_in_ref.shape[0]
    E = 8
    idx = idx_in_ref[...]
    lane = lax.broadcasted_iota(jnp.int32, (T, E), 1)
    onehot = (lane == idx).astype(jnp.float32)
    bk = 128
    nb = T // bk
    prefix = []
    running = jnp.zeros((1, E), jnp.float32)
    for b in range(nb):
        prefix.append(running)
        running = running + jnp.sum(
            onehot[b * bk:(b + 1) * bk, :], axis=0, keepdims=True)
    counts = running
    jj = lax.broadcasted_iota(jnp.int32, (16, E), 0)
    kk = lax.broadcasted_iota(jnp.int32, (16, E), 1)
    cb16 = jnp.broadcast_to(counts, (16, E))
    offs_col = jnp.sum(jnp.where(kk < jj, cb16, 0.0), axis=1, keepdims=True)
    offs_ref[...] = offs_col.astype(jnp.int32)
    cbT = jnp.broadcast_to(counts, (T, E))
    base = jnp.sum(jnp.where(lane < idx, cbT, 0.0), axis=1, keepdims=True)
    rr = lax.broadcasted_iota(jnp.int32, (bk, bk), 0)
    cc = lax.broadcasted_iota(jnp.int32, (bk, bk), 1)
    l128 = (cc <= rr).astype(jnp.float32)
    for b in range(nb):
        oh_b = onehot[b * bk:(b + 1) * bk, :]
        csum_b = jnp.dot(l128, oh_b, preferred_element_type=jnp.float32) + prefix[b]
        rank_b = jnp.sum((csum_b - 1.0) * oh_b, axis=1, keepdims=True)
        dest_ref[b * bk:(b + 1) * bk, :] = (
            base[b * bk:(b + 1) * bk, :] + rank_b).astype(jnp.int32)

    nbf = T // _BT
    offs_f = jnp.broadcast_to(offs_col, (16, 32))
    sub16 = lax.broadcasted_iota(jnp.int32, (16, 32), 0)
    lane32 = lax.broadcasted_iota(jnp.int32, (16, 32), 1)
    jmask = (sub16 >= 1) & (sub16 <= E)
    lo_row = (lane32 * _BT).astype(jnp.float32)
    hi_row = lo_row + np.float32(_BT)
    emin_row = jnp.sum(jnp.where(jmask & (offs_f <= lo_row), 1.0, 0.0),
                       axis=0, keepdims=True)
    emax_row = jnp.sum(jnp.where(jmask & (offs_f < hi_row), 1.0, 0.0),
                       axis=0, keepdims=True)
    iv_row = (lane32[:1] < nbf)
    num_row = jnp.where(iv_row, emax_row - emin_row + 1.0, 0.0)

    def _to_col(row):
        return jnp.sum(jnp.where(sub16 == lane32,
                                 jnp.broadcast_to(row, (16, 32)), 0.0),
                       axis=1, keepdims=True)

    num_col = _to_col(num_row)
    emin_col = _to_col(emin_row)
    emax_col = _to_col(emax_row)
    num_b = jnp.broadcast_to(num_col, (16, 32))
    ss_row = jnp.sum(jnp.where(sub16 < lane32, num_b, 0.0),
                     axis=0, keepdims=True)
    ss_col = _to_col(ss_row)
    ss_b = jnp.broadcast_to(ss_col, (16, 32))
    s_lane = lane32[:1].astype(jnp.float32)
    ivalid = sub16 < nbf
    pair_i = jnp.sum(jnp.where(ivalid & (ss_b <= s_lane), 1.0, 0.0),
                     axis=0, keepdims=True) - 1.0
    pim = sub16 == pair_i.astype(jnp.int32)
    emin_at = jnp.sum(jnp.where(pim, jnp.broadcast_to(emin_col, (16, 32)), 0.0),
                      axis=0, keepdims=True)
    emax_at = jnp.sum(jnp.where(pim, jnp.broadcast_to(emax_col, (16, 32)), 0.0),
                      axis=0, keepdims=True)
    ss_at = jnp.sum(jnp.where(pim, ss_b, 0.0), axis=0, keepdims=True)
    pair_e = jnp.minimum(emin_at + (s_lane - ss_at), emax_at)
    total = jnp.sum(num_b[:, :1], axis=0, keepdims=True)
    valid = (s_lane < jnp.broadcast_to(total, (1, 32))).astype(jnp.int32)
    first = (s_lane == ss_at).astype(jnp.int32)
    pi_ref[...] = pair_i.astype(jnp.int32)
    pe_ref[...] = pair_e.astype(jnp.int32)
    vv_ref[...] = valid
    ff_ref[...] = first


def _run_plan(idx):
    T = idx.shape[0]
    return pl.pallas_call(
        _plan_body,
        in_specs=[pl.BlockSpec(memory_space=pltpu.VMEM)],
        out_shape=[
            jax.ShapeDtypeStruct((T, 1), jnp.int32),
            jax.ShapeDtypeStruct((16, 1), jnp.int32),
            jax.ShapeDtypeStruct((1, 32), jnp.int32),
            jax.ShapeDtypeStruct((1, 32), jnp.int32),
            jax.ShapeDtypeStruct((1, 32), jnp.int32),
            jax.ShapeDtypeStruct((1, 32), jnp.int32),
        ],
    )(idx)


def _ffn_body(offs_ref, pi_ref, pe_ref, vv_ref, ff_ref,
              x_ref, w1_ref, b1_ref, w2_ref, b2_ref, out_ref):
    s = pl.program_id(0)
    e = pe_ref[s]
    lo = pi_ref[s] * _BT
    start = offs_ref[e]
    end = offs_ref[e + 1]

    @pl.when(vv_ref[s] == 1)
    def _compute():
        xb = x_ref[...].astype(jnp.bfloat16)
        h = jnp.dot(xb, w1_ref[0].astype(jnp.bfloat16),
                    preferred_element_type=jnp.float32) + b1_ref[0]
        h = h * 0.5 * (1.0 + lax.erf(h * np.float32(0.7071067811865476)))
        y = jnp.dot(h.astype(jnp.bfloat16), w2_ref[0].astype(jnp.bfloat16),
                    preferred_element_type=jnp.float32) + b2_ref[0]
        rows = lo + lax.broadcasted_iota(jnp.int32, (_BT, 1), 0)
        m = (rows >= start) & (rows < end)
        yy = jnp.where(m, y, 0.0)

        @pl.when(ff_ref[s] == 1)
        def _first():
            out_ref[...] = yy

        @pl.when(ff_ref[s] == 0)
        def _accum():
            out_ref[...] += yy


def _run_ffn(x_sorted, W1, b1, W2, b2, offs16, pair_i, pair_e, valid, first):
    T, D = x_sorted.shape
    E, _, H = W1.shape
    nslot = T // _BT + E - 1
    grid_spec = pltpu.PrefetchScalarGridSpec(
        num_scalar_prefetch=5,
        grid=(nslot,),
        in_specs=[
            pl.BlockSpec((_BT, D), lambda s, offs, pi, pe, vv, ff: (pi[s], 0)),
            pl.BlockSpec((1, D, H), lambda s, offs, pi, pe, vv, ff: (pe[s], 0, 0)),
            pl.BlockSpec((1, 1, H), lambda s, offs, pi, pe, vv, ff: (pe[s], 0, 0)),
            pl.BlockSpec((1, H, D), lambda s, offs, pi, pe, vv, ff: (pe[s], 0, 0)),
            pl.BlockSpec((1, 1, D), lambda s, offs, pi, pe, vv, ff: (pe[s], 0, 0)),
        ],
        out_specs=pl.BlockSpec((_BT, D), lambda s, offs, pi, pe, vv, ff: (pi[s], 0)),
    )
    return pl.pallas_call(
        _ffn_body,
        grid_spec=grid_spec,
        out_shape=jax.ShapeDtypeStruct((T, D), jnp.float32),
        compiler_params=pltpu.CompilerParams(
            dimension_semantics=("arbitrary",)),
    )(offs16, pair_i, pair_e, valid, first,
      x_sorted, W1, b1.reshape(E, 1, H), W2, b2.reshape(E, 1, D))


def _sc_permute(src, dest_idx, direction):
    T, D = src.shape
    info = plsc.get_sparse_core_info()
    nc, ns = info.num_cores, info.num_subcores
    nw = nc * ns
    bpw = T // nw
    mesh = plsc.VectorSubcoreMesh(core_axis_name="c", subcore_axis_name="s")

    @functools.partial(
        pl.kernel,
        mesh=mesh,
        out_type=jax.ShapeDtypeStruct((T, D), jnp.float32),
        scratch_types=[
            pltpu.VMEM((bpw,), jnp.int32),
            pltpu.VMEM((bpw, D), jnp.float32),
            pltpu.SemaphoreType.DMA,
        ],
    )
    def k(src_hbm, dest_hbm, out_hbm, idx_v, rows_v, sem):
        wid = lax.axis_index("s") * nc + lax.axis_index("c")
        base = wid * bpw
        pltpu.sync_copy(dest_hbm.at[pl.ds(base, bpw)], idx_v)
        if direction == "scatter":
            pltpu.sync_copy(src_hbm.at[pl.ds(base, bpw)], rows_v)
            pltpu.async_copy(rows_v, out_hbm.at[idx_v], sem).wait()
        else:
            pltpu.async_copy(src_hbm.at[idx_v], rows_v, sem).wait()
            pltpu.sync_copy(rows_v, out_hbm.at[pl.ds(base, bpw)])

    return k(src, dest_idx)


def kernel(x, position_weight, content_weight, pos_sig, content_sig, W1, b1, W2, b2):
    B, S, D = x.shape
    T = B * S
    E, _, H = W1.shape
    xf = x.reshape(T, D)
    pe = jnp.asarray(_PE)[:S]
    pe_t = jnp.broadcast_to(pe[None, :, :], (B, S, _PE.shape[1])).reshape(T, -1)
    pwcw = jnp.stack([position_weight, content_weight])

    scores = _run_scores(pwcw, pe_t, xf, pos_sig, content_sig)

    fast_idx = jnp.argmax(scores, axis=-1).astype(jnp.int32)
    m1 = jnp.max(scores, axis=-1)
    masked = jnp.where(
        jax.nn.one_hot(fast_idx, E, dtype=jnp.bool_), -jnp.inf, scores)
    gap_min = jnp.min(m1 - jnp.max(masked, axis=-1))

    def _exact_decision(_):
        pos_enc = jnp.broadcast_to(pe[None, :, :], (B, S, _PE.shape[1]))
        pw = jax.nn.sigmoid(position_weight)
        cw = jax.nn.sigmoid(content_weight)
        total = pw + cw
        pw = pw / total
        cw = cw / total
        address = jnp.concatenate([pw * pos_enc, cw * x], axis=-1)
        signatures = jnp.concatenate(
            [jnp.sign(pos_sig), jnp.sign(content_sig)], axis=-1)
        decision_scores = jnp.einsum('bsd,td->bst', address, signatures)
        return jnp.argmax(decision_scores, axis=-1).reshape(T).astype(jnp.int32)

    indices = lax.cond(gap_min < 5e-4, _exact_decision,
                       lambda _: fast_idx, operand=None)

    dest, offs16, pair_i, pair_e, valid, first = _run_plan(indices.reshape(T, 1))
    dest_flat = dest.reshape(T)
    x_sorted = _sc_permute(xf, dest_flat, "scatter")
    y_sorted = _run_ffn(x_sorted, W1, b1, W2, b2, offs16.reshape(16),
                        pair_i.reshape(32), pair_e.reshape(32),
                        valid.reshape(32), first.reshape(32))
    outf = _sc_permute(y_sorted, dest_flat, "gather")
    return outf.reshape(B, S, D), indices.reshape(B, S), scores.reshape(B, S, E)

# --- scband reference (transcript-rebuilt; emitter-appended) ---
"""Pipeline reference for scband-mixed-signature-ffn-51934744543480 (READ-ONLY COPY).

The authoritative reference and input builder live on the scoring server;
editing this copy changes nothing except your own understanding.
"""

import jax, jax.numpy as jnp
import numpy as np


def _sinusoidal_pe(max_len, d_model):
    position = np.arange(max_len, dtype=np.float32)[:, None]
    div_term = np.exp(np.arange(0, d_model, 2, dtype=np.float32) * (-np.log(10000.0) / d_model))
    pe = np.zeros((max_len, d_model), dtype=np.float32)
    pe[:, 0::2] = np.sin(position * div_term)
    pe[:, 1::2] = np.cos(position * div_term)
    return jnp.asarray(pe)


def setup_inputs(seed: int = 0) -> dict:
    key = jax.random.key(seed)
    ks = jax.random.split(key, 9)
    B, S, d_content, d_position, E, d_hidden = 4, 512, 768, 32, 8, 1024
    x = jax.random.normal(ks[0], (B, S, d_content), dtype=jnp.float32)
    # per-tile signature params (torch.randn init)
    pos_sig = jax.random.normal(ks[1], (E, d_position), dtype=jnp.float32)
    content_sig = jax.random.normal(ks[2], (E, d_content), dtype=jnp.float32)
    # per-tile FFN params stacked over experts (nn.Linear default uniform init)
    lim1 = 1.0 / np.sqrt(d_content)
    W1 = jax.random.uniform(ks[3], (E, d_content, d_hidden), dtype=jnp.float32, minval=-lim1, maxval=lim1)
    b1 = jax.random.uniform(ks[4], (E, d_hidden), dtype=jnp.float32, minval=-lim1, maxval=lim1)
    lim2 = 1.0 / np.sqrt(d_hidden)
    W2 = jax.random.uniform(ks[5], (E, d_hidden, d_content), dtype=jnp.float32, minval=-lim2, maxval=lim2)
    b2 = jax.random.uniform(ks[6], (E, d_content), dtype=jnp.float32, minval=-lim2, maxval=lim2)
    position_weight = jnp.array(0.5, dtype=jnp.float32)
    content_weight = jnp.array(0.5, dtype=jnp.float32)
    return {
        "x": x,
        "position_weight": position_weight,
        "content_weight": content_weight,
        "pos_sig": pos_sig,
        "content_sig": content_sig,
        "W1": W1,
        "b1": b1,
        "W2": W2,
        "b2": b2,
    }


def reference(x, position_weight, content_weight, pos_sig, content_sig, W1, b1, W2, b2):
    B, S, d_content = x.shape
    d_position = pos_sig.shape[1]
    # MixedAddressRouter.compute_address
    pe = _sinusoidal_pe(512, d_position)[:S]
    pos_enc = jnp.broadcast_to(pe[None, :, :], (B, S, d_position))
    pw = jax.nn.sigmoid(position_weight)
    cw = jax.nn.sigmoid(content_weight)
    total = pw + cw
    pw = pw / total
    cw = cw / total
    address = jnp.concatenate([pw * pos_enc, cw * x], axis=-1)
    # get_signatures (ternarized via sign)
    signatures = jnp.concatenate([jnp.sign(pos_sig), jnp.sign(content_sig)], axis=-1)  # (E, d_total)
    # route
    scores = jnp.einsum('bsd,td->bst', address, signatures)
    indices = jnp.argmax(scores, axis=-1)  # (B, S)
    # per-token tile FFN: compute all tiles densely, then select winner per token
    h = jax.nn.gelu(jnp.einsum('bsd,edh->bseh', x, W1) + b1[None, None, :, :], approximate=False)
    y = jnp.einsum('bseh,ehd->bsed', h, W2) + b2[None, None, :, :]
    output = jnp.take_along_axis(y, indices[..., None, None], axis=2)[:, :, 0, :]
    return (output, indices, scores)

if __name__ == "__main__":
    import jax
    _d = setup_inputs()
    print(jax.jit(kernel)(*tuple(_d.values())))

</pallas_src>

<mosaic_0001>
#map = affine_map<(d0, d1) -> (0, 0)>
#map1 = affine_map<(d0, d1) -> (0)>
module attributes {stable_mosaic.version = 14 : i64} {
  func.func @k(%arg0: i32, %arg1: i32, %arg2: memref<2048x768xf32, #tpu.memory_space<hbm>>, %arg3: memref<2048xi32, #tpu.memory_space<hbm>>, %arg4: memref<2048x768xf32, #tpu.memory_space<hbm>>, %arg5: memref<64xi32, #tpu.memory_space<vmem>>, %arg6: memref<64x768xf32, #tpu.memory_space<vmem>>, %arg7: memref<!tpu.dma_semaphore, #tpu.memory_space<semaphore_mem>>) attributes {dimension_semantics = [#tpu.dimension_semantics<core_parallel>, #tpu.dimension_semantics<subcore_parallel>], iteration_bounds = array<i64: 2, 16>, scalar_prefetch = 0 : i64, scratch_operands = 3 : i64, tpu.core_type = #tpu.core_type<sc_vector_subcore>, window_params = [{transform_indices = #map}, {transform_indices = #map1}, {transform_indices = #map}]} {
    %mul3A = arith.constant 2 : i32
    %mul3A_0 = arith.muli %arg1, %mul3A : i32
    %add3A = arith.addi %mul3A_0, %arg0 : i32
    %mul3A_1 = arith.constant 64 : i32
    %mul3A_2 = arith.muli %add3A, %mul3A_1 : i32
    "tpu.region"() ({
      %run_scoped3A = tpu.sem_alloc : memref<!tpu.dma_semaphore, #tpu.memory_space<semaphore_mem>>
      %dma_start3A_7 = tpu.memref_slice %arg3[%mul3A_2] : memref<2048xi32, #tpu.memory_space<hbm>> -> memref<64xi32, #tpu.memory_space<hbm>>
      %dma_start3A_8 = tpu.memref_slice %arg3[%mul3A_2] : memref<2048xi32, #tpu.memory_space<hbm>> -> memref<64xi32, #tpu.memory_space<hbm>>
      tpu.enqueue_dma source(%dma_start3A_8 : memref<64xi32, #tpu.memory_space<hbm>>) target(%arg5 : memref<64xi32, #tpu.memory_space<vmem>>) target_semaphore(%run_scoped3A : memref<!tpu.dma_semaphore, #tpu.memory_space<semaphore_mem>>)
      %dma_wait3A_9 = tpu.memref_slice %arg3[%mul3A_2] : memref<2048xi32, #tpu.memory_space<hbm>> -> memref<64xi32, #tpu.memory_space<hbm>>
      %dma_wait3A_10 = tpu.memref_slice %arg3[%mul3A_2] : memref<2048xi32, #tpu.memory_space<hbm>> -> memref<64xi32, #tpu.memory_space<hbm>>
      tpu.wait_dma2 semaphore(%run_scoped3A : memref<!tpu.dma_semaphore, #tpu.memory_space<semaphore_mem>>) src(%dma_wait3A_10 : memref<64xi32, #tpu.memory_space<hbm>>) dst(%arg5 : memref<64xi32, #tpu.memory_space<vmem>>)
      tpu.yield
    }) : () -> ()
    "tpu.region"() ({
      %run_scoped3A = tpu.sem_alloc : memref<!tpu.dma_semaphore, #tpu.memory_space<semaphore_mem>>
      %dma_start3A_7 = arith.constant 0 : i32
      %dma_start3A_8 = tpu.memref_slice %arg2[%mul3A_2, %dma_start3A_7] : memref<2048x768xf32, #tpu.memory_space<hbm>> -> memref<64x768xf32, #tpu.memory_space<hbm>>
      %dma_start3A_9 = arith.constant 0 : i32
      %dma_start3A_10 = tpu.memref_slice %arg2[%mul3A_2, %dma_start3A_9] : memref<2048x768xf32, #tpu.memory_space<hbm>> -> memref<64x768xf32, #tpu.memory_space<hbm>>
      tpu.enqueue_dma source(%dma_start3A_10 : memref<64x768xf32, #tpu.memory_space<hbm>>) target(%arg6 : memref<64x768xf32, #tpu.memory_space<vmem>>) target_semaphore(%run_scoped3A : memref<!tpu.dma_semaphore, #tpu.memory_space<semaphore_mem>>)
      %dma_wait3A_11 = arith.constant 0 : i32
      %dma_wait3A_12 = tpu.memref_slice %arg2[%mul3A_2, %dma_wait3A_11] : memref<2048x768xf32, #tpu.memory_space<hbm>> -> memref<64x768xf32, #tpu.memory_space<hbm>>
      %dma_wait3A_13 = arith.constant 0 : i32
      %dma_wait3A_14 = tpu.memref_slice %arg2[%mul3A_2, %dma_wait3A_13] : memref<2048x768xf32, #tpu.memory_space<hbm>> -> memref<64x768xf32, #tpu.memory_space<hbm>>
      tpu.wait_dma2 semaphore(%run_scoped3A : memref<!tpu.dma_semaphore, #tpu.memory_space<semaphore_mem>>) src(%dma_wait3A_14 : memref<64x768xf32, #tpu.memory_space<hbm>>) dst(%arg6 : memref<64x768xf32, #tpu.memory_space<vmem>>)
      tpu.yield
    }) : () -> ()
    %dma_start3A = arith.constant 0 : i32
    %dma_start3A_3 = arith.constant 0 : i32
    %dma_start3A_4 = tpu.memref_slice %arg4[%dma_start3A, %dma_start3A_3] : memref<2048x768xf32, #tpu.memory_space<hbm>> -> memref<2048x768xf32, #tpu.memory_space<hbm>>
    tpu.enqueue_indirect_dma source(%arg6 : memref<64x768xf32, #tpu.memory_space<vmem>>) target(%dma_start3A_4 : memref<2048x768xf32, #tpu.memory_space<hbm>>) offsets(%arg5 : memref<64xi32, #tpu.memory_space<vmem>>) semaphore(%arg7 : memref<!tpu.dma_semaphore, #tpu.memory_space<semaphore_mem>>)
    %dma_wait3A = arith.constant 0 : i32
    %dma_wait3A_5 = arith.constant 0 : i32
    %dma_wait3A_6 = tpu.memref_slice %arg4[%dma_wait3A, %dma_wait3A_5] : memref<2048x768xf32, #tpu.memory_space<hbm>> -> memref<2048x768xf32, #tpu.memory_space<hbm>>
    tpu.wait_indirect_dma semaphore(%arg7 : memref<!tpu.dma_semaphore, #tpu.memory_space<semaphore_mem>>) src(%arg6 : memref<64x768xf32, #tpu.memory_space<vmem>>) dst(%dma_wait3A_6 : memref<2048x768xf32, #tpu.memory_space<hbm>>)
    return
  }
}

#map = affine_map<(d0, d1) -> (0, 0)>
#map1 = affine_map<(d0, d1) -> (0)>
module attributes {stable_mosaic.version = 14 : i64} {
  func.func @k(%arg0: i32, %arg1: i32, %arg2: memref<2048x768xf32, #tpu.memory_space<hbm>>, %arg3: memref<2048xi32, #tpu.memory_space<hbm>>, %arg4: memref<2048x768xf32, #tpu.memory_space<hbm>>, %arg5: memref<64xi32, #tpu.memory_space<vmem>>, %arg6: memref<64x768xf32, #tpu.memory_space<vmem>>, %arg7: memref<!tpu.dma_semaphore, #tpu.memory_space<semaphore_mem>>) attributes {dimension_semantics = [#tpu.dimension_semantics<core_parallel>, #tpu.dimension_semantics<subcore_parallel>], iteration_bounds = array<i64: 2, 16>, scalar_prefetch = 0 : i64, scratch_operands = 3 : i64, tpu.core_type = #tpu.core_type<sc_vector_subcore>, window_params = [{transform_indices = #map}, {transform_indices = #map1}, {transform_indices = #map}]} {
    %mul3A = arith.constant 2 : i32
    %mul3A_0 = arith.muli %arg1, %mul3A : i32
    %add3A = arith.addi %mul3A_0, %arg0 : i32
    %mul3A_1 = arith.constant 64 : i32
    %mul3A_2 = arith.muli %add3A, %mul3A_1 : i32
    "tpu.region"() ({
      %run_scoped3A = tpu.sem_alloc : memref<!tpu.dma_semaphore, #tpu.memory_space<semaphore_mem>>
      %dma_start3A_7 = tpu.memref_slice %arg3[%mul3A_2] : memref<2048xi32, #tpu.memory_space<hbm>> -> memref<64xi32, #tpu.memory_space<hbm>>
      %dma_start3A_8 = tpu.memref_slice %arg3[%mul3A_2] : memref<2048xi32, #tpu.memory_space<hbm>> -> memref<64xi32, #tpu.memory_space<hbm>>
      tpu.enqueue_dma source(%dma_start3A_8 : memref<64xi32, #tpu.memory_space<hbm>>) target(%arg5 : memref<64xi32, #tpu.memory_space<vmem>>) target_semaphore(%run_scoped3A : memref<!tpu.dma_semaphore, #tpu.memory_space<semaphore_mem>>)
      %dma_wait3A_9 = tpu.memref_slice %arg3[%mul3A_2] : memref<2048xi32, #tpu.memory_space<hbm>> -> memref<64xi32, #tpu.memory_space<hbm>>
      %dma_wait3A_10 = tpu.memref_slice %arg3[%mul3A_2] : memref<2048xi32, #tpu.memory_space<hbm>> -> memref<64xi32, #tpu.memory_space<hbm>>
      tpu.wait_dma2 semaphore(%run_scoped3A : memref<!tpu.dma_semaphore, #tpu.memory_space<semaphore_mem>>) src(%dma_wait3A_10 : memref<64xi32, #tpu.memory_space<hbm>>) dst(%arg5 : memref<64xi32, #tpu.memory_space<vmem>>)
      tpu.yield
    }) : () -> ()
    %dma_start3A = arith.constant 0 : i32
    %dma_start3A_3 = arith.constant 0 : i32
    %dma_start3A_4 = tpu.memref_slice %arg2[%dma_start3A, %dma_start3A_3] : memref<2048x768xf32, #tpu.memory_space<hbm>> -> memref<2048x768xf32, #tpu.memory_space<hbm>>
    tpu.enqueue_indirect_dma source(%dma_start3A_4 : memref<2048x768xf32, #tpu.memory_space<hbm>>) target(%arg6 : memref<64x768xf32, #tpu.memory_space<vmem>>) offsets(%arg5 : memref<64xi32, #tpu.memory_space<vmem>>) semaphore(%arg7 : memref<!tpu.dma_semaphore, #tpu.memory_space<semaphore_mem>>)
    %dma_wait3A = arith.constant 0 : i32
    %dma_wait3A_5 = arith.constant 0 : i32
    %dma_wait3A_6 = tpu.memref_slice %arg2[%dma_wait3A, %dma_wait3A_5] : memref<2048x768xf32, #tpu.memory_space<hbm>> -> memref<2048x768xf32, #tpu.memory_space<hbm>>
    tpu.wait_indirect_dma semaphore(%arg7 : memref<!tpu.dma_semaphore, #tpu.memory_space<semaphore_mem>>) src(%dma_wait3A_6 : memref<2048x768xf32, #tpu.memory_space<hbm>>) dst(%arg6 : memref<64x768xf32, #tpu.memory_space<vmem>>)
    "tpu.region"() ({
      %run_scoped3A = tpu.sem_alloc : memref<!tpu.dma_semaphore, #tpu.memory_space<semaphore_mem>>
      %dma_start3A_7 = arith.constant 0 : i32
      %dma_start3A_8 = tpu.memref_slice %arg4[%mul3A_2, %dma_start3A_7] : memref<2048x768xf32, #tpu.memory_space<hbm>> -> memref<64x768xf32, #tpu.memory_space<hbm>>
      %dma_start3A_9 = arith.constant 0 : i32
      %dma_start3A_10 = tpu.memref_slice %arg4[%mul3A_2, %dma_start3A_9] : memref<2048x768xf32, #tpu.memory_space<hbm>> -> memref<64x768xf32, #tpu.memory_space<hbm>>
      tpu.enqueue_dma source(%arg6 : memref<64x768xf32, #tpu.memory_space<vmem>>) target(%dma_start3A_10 : memref<64x768xf32, #tpu.memory_space<hbm>>) target_semaphore(%run_scoped3A : memref<!tpu.dma_semaphore, #tpu.memory_space<semaphore_mem>>)
      %dma_wait3A_11 = arith.constant 0 : i32
      %dma_wait3A_12 = tpu.memref_slice %arg4[%mul3A_2, %dma_wait3A_11] : memref<2048x768xf32, #tpu.memory_space<hbm>> -> memref<64x768xf32, #tpu.memory_space<hbm>>
      %dma_wait3A_13 = arith.constant 0 : i32
      %dma_wait3A_14 = tpu.memref_slice %arg4[%mul3A_2, %dma_wait3A_13] : memref<2048x768xf32, #tpu.memory_space<hbm>> -> memref<64x768xf32, #tpu.memory_space<hbm>>
      tpu.wait_dma2 semaphore(%run_scoped3A : memref<!tpu.dma_semaphore, #tpu.memory_space<semaphore_mem>>) src(%arg6 : memref<64x768xf32, #tpu.memory_space<vmem>>) dst(%dma_wait3A_14 : memref<64x768xf32, #tpu.memory_space<hbm>>)
      tpu.yield
    }) : () -> ()
    return
  }
}

module attributes {stable_mosaic.version = 14 : i64} {
  func.func @_scores_body(%arg0: memref<2xf32, #tpu.memory_space<smem>>, %arg1: memref<2048x32xf32, #tpu.memory_space<vmem>>, %arg2: memref<2048x768xf32, #tpu.memory_space<vmem>>, %arg3: memref<8x32xf32, #tpu.memory_space<vmem>>, %arg4: memref<8x768xf32, #tpu.memory_space<vmem>>, %arg5: memref<2048x8xf32, #tpu.memory_space<vmem>>) attributes {dimension_semantics = [], scalar_prefetch = 0 : i64, scratch_operands = 0 : i64, tpu.core_type = #tpu.core_type<tc>} {
    %get3A = arith.constant 0 : index
    %get3A_0 = memref.load %arg0[%get3A] : memref<2xf32, #tpu.memory_space<smem>>
    %logistic3A = arith.negf %get3A_0 : f32
    %logistic3A_1 = math.exp %logistic3A : f32
    %logistic3A_2 = arith.constant 1.000000e+00 : f32
    %logistic3A_3 = arith.addf %logistic3A_2, %logistic3A_1 : f32
    %logistic3A_4 = arith.divf %logistic3A_2, %logistic3A_3 : f32
    %get3A_5 = arith.constant 1 : index
    %get3A_6 = memref.load %arg0[%get3A_5] : memref<2xf32, #tpu.memory_space<smem>>
    %logistic3A_7 = arith.negf %get3A_6 : f32
    %logistic3A_8 = math.exp %logistic3A_7 : f32
    %logistic3A_9 = arith.constant 1.000000e+00 : f32
    %logistic3A_10 = arith.addf %logistic3A_9, %logistic3A_8 : f32
    %logistic3A_11 = arith.divf %logistic3A_9, %logistic3A_10 : f32
    %add3A = arith.addf %logistic3A_4, %logistic3A_11 : f32
    %div3A = arith.divf %logistic3A_4, %add3A : f32
    %div3A_12 = arith.divf %logistic3A_11, %add3A : f32
    %get3A_13 = arith.constant 0 : index
    %get3A_14 = arith.constant 0 : index
    %get3A_15 = vector.load %arg1[%get3A_13, %get3A_14] : memref<2048x32xf32, #tpu.memory_space<vmem>>, vector<2048x32xf32>
    %mul3A = vector.broadcast %div3A : f32 to vector<2048x32xf32>
    %mul3A_16 = arith.mulf %mul3A, %get3A_15 : vector<2048x32xf32>
    %get3A_17 = arith.constant 0 : index
    %get3A_18 = arith.constant 0 : index
    %get3A_19 = vector.load %arg2[%get3A_17, %get3A_18] : memref<2048x768xf32, #tpu.memory_space<vmem>>, vector<2048x768xf32>
    %mul3A_20 = vector.broadcast %div3A_12 : f32 to vector<2048x768xf32>
    %mul3A_21 = arith.mulf %mul3A_20, %get3A_19 : vector<2048x768xf32>
    %concatenate3A = tpu.concatenate %mul3A_16, %mul3A_21 in 1 : vector<2048x32xf32>, vector<2048x768xf32> -> vector<2048x800xf32>
    %get3A_22 = arith.constant 0 : index
    %get3A_23 = arith.constant 0 : index
    %get3A_24 = vector.load %arg3[%get3A_22, %get3A_23] : memref<8x32xf32, #tpu.memory_space<vmem>>, vector<8x32xf32>
    %sign3A = tpu.bitcast %get3A_24 : vector<8x32xf32> -> vector<8x32xi32>
    %sign3A_25 = arith.constant -2147483648 : i32
    %sign3A_26 = vector.broadcast %sign3A_25 : i32 to vector<8x32xi32>
    %sign3A_27 = arith.andi %sign3A, %sign3A_26 : vector<8x32xi32>
    %sign3A_28 = arith.constant 1065353216 : i32
    %sign3A_29 = vector.broadcast %sign3A_28 : i32 to vector<8x32xi32>
    %sign3A_30 = arith.ori %sign3A_29, %sign3A_27 : vector<8x32xi32>
    %sign3A_31 = tpu.bitcast %sign3A_30 : vector<8x32xi32> -> vector<8x32xf32>
    %sign3A_32 = math.absf %get3A_24 : vector<8x32xf32>
    %sign3A_33 = arith.constant 0.000000e+00 : f32
    %sign3A_34 = vector.broadcast %sign3A_33 : f32 to vector<8x32xf32>
    %sign3A_35 = arith.cmpf ogt, %sign3A_32, %sign3A_34 : vector<8x32xf32>
    %sign3A_36 = arith.select %sign3A_35, %sign3A_31, %get3A_24 : vector<8x32xi1>, vector<8x32xf32>
    %transpose3A = tpu.transpose %sign3A_36, [1, 0] : vector<8x32xf32> -> vector<32x8xf32>
    %get3A_37 = arith.constant 0 : index
    %get3A_38 = arith.constant 0 : index
    %get3A_39 = vector.load %arg4[%get3A_37, %get3A_38] : memref<8x768xf32, #tpu.memory_space<vmem>>, vector<8x768xf32>
    %sign3A_40 = tpu.bitcast %get3A_39 : vector<8x768xf32> -> vector<8x768xi32>
    %sign3A_41 = arith.constant -2147483648 : i32
    %sign3A_42 = vector.broadcast %sign3A_41 : i32 to vector<8x768xi32>
    %sign3A_43 = arith.andi %sign3A_40, %sign3A_42 : vector<8x768xi32>
    %sign3A_44 = arith.constant 1065353216 : i32
    %sign3A_45 = vector.broadcast %sign3A_44 : i32 to vector<8x768xi32>
    %sign3A_46 = arith.ori %sign3A_45, %sign3A_43 : vector<8x768xi32>
    %sign3A_47 = tpu.bitcast %sign3A_46 : vector<8x768xi32> -> vector<8x768xf32>
    %sign3A_48 = math.absf %get3A_39 : vector<8x768xf32>
    %sign3A_49 = arith.constant 0.000000e+00 : f32
    %sign3A_50 = vector.broadcast %sign3A_49 : f32 to vector<8x768xf32>
    %sign3A_51 = arith.cmpf ogt, %sign3A_48, %sign3A_50 : vector<8x768xf32>
    %sign3A_52 = arith.select %sign3A_51, %sign3A_47, %get3A_39 : vector<8x768xi1>, vector<8x768xf32>
    %transpose3A_53 = tpu.transpose %sign3A_52, [1, 0] : vector<8x768xf32> -> vector<768x8xf32>
    %concatenate3A_54 = tpu.concatenate %transpose3A, %transpose3A_53 in 0 : vector<32x8xf32>, vector<768x8xf32> -> vector<800x8xf32>
    %dot_general3A = arith.constant dense<0.000000e+00> : vector<2048x8xf32>
    %dot_general3A_55 = tpu.matmul %concatenate3A, %concatenate3A_54, %dot_general3A {dimension_numbers = #tpu.dot_dimension_numbers<[1], [0], [0], [1], [0, 0, 1, 1], [], []>, transpose_lhs_hint = false} : vector<2048x800xf32>, vector<800x8xf32>, vector<2048x8xf32> -> vector<2048x8xf32>
    %swap3A = arith.constant 0 : index
    %swap3A_56 = arith.constant 0 : index
    %swap3A_57 = vector.load %arg5[%swap3A, %swap3A_56] : memref<2048x8xf32, #tpu.memory_space<vmem>>, vector<2048x8xf32>
    tpu.vector_store %arg5[%swap3A, %swap3A_56], %dot_general3A_55 {strides = array<i32>} : memref<2048x8xf32, #tpu.memory_space<vmem>>, vector<2048x8xf32>,
    return
  }
}

module attributes {stable_mosaic.version = 14 : i64} {
  func.func @_plan_body(%arg0: memref<2048x1xi32, #tpu.memory_space<vmem>>, %arg1: memref<2048x1xi32, #tpu.memory_space<vmem>>, %arg2: memref<16x1xi32, #tpu.memory_space<vmem>>, %arg3: memref<1x32xi32, #tpu.memory_space<vmem>>, %arg4: memref<1x32xi32, #tpu.memory_space<vmem>>, %arg5: memref<1x32xi32, #tpu.memory_space<vmem>>, %arg6: memref<1x32xi32, #tpu.memory_space<vmem>>) attributes {dimension_semantics = [], scalar_prefetch = 0 : i64, scratch_operands = 0 : i64, tpu.core_type = #tpu.core_type<tc>} {
    %get3A = arith.constant 0 : index
    %get3A_0 = arith.constant 0 : index
    %get3A_1 = vector.load %arg0[%get3A, %get3A_0] : memref<2048x1xi32, #tpu.memory_space<vmem>>, vector<2048x1xi32>
    %iota3A = tpu.iota {dimensions = array<i32: 1>} : vector<2048x8xi32>
    %eq3A = vector.broadcast %get3A_1 : vector<2048x1xi32> to vector<2048x8xi32>
    %eq3A_2 = arith.cmpi eq, %iota3A, %eq3A : vector<2048x8xi32>
    %convert_element_type3A = arith.extui %eq3A_2 : vector<2048x8xi1> to vector<2048x8xi32>
    %convert_element_type3A_3 = arith.sitofp %convert_element_type3A : vector<2048x8xi32> to vector<2048x8xf32>
    %broadcast_in_dim3A = arith.constant 0.000000e+00 : f32
    %broadcast_in_dim3A_4 = vector.broadcast %broadcast_in_dim3A : f32 to vector<1x8xf32>
    %slice3A = vector.extract_strided_slice %convert_element_type3A_3 {offsets = [0, 0], sizes = [128, 8], strides = [1, 1]} : vector<2048x8xf32> to vector<128x8xf32>
    %reduce_sum3A = arith.constant dense<0.000000e+00> : vector<8xf32>
    %reduce_sum3A_5 = vector.multi_reduction <add>, %slice3A, %reduce_sum3A [0] : vector<128x8xf32> to vector<8xf32>
    %broadcast_in_dim3A_6 = vector.shape_cast %reduce_sum3A_5 : vector<8xf32> to vector<1x8xf32>
    %add3A = arith.addf %broadcast_in_dim3A_4, %broadcast_in_dim3A_6 : vector<1x8xf32>
    %slice3A_7 = vector.extract_strided_slice %convert_element_type3A_3 {offsets = [128, 0], sizes = [128, 8], strides = [1, 1]} : vector<2048x8xf32> to vector<128x8xf32>
    %reduce_sum3A_8 = arith.constant dense<0.000000e+00> : vector<8xf32>
    %reduce_sum3A_9 = vector.multi_reduction <add>, %slice3A_7, %reduce_sum3A_8 [0] : vector<128x8xf32> to vector<8xf32>
    %broadcast_in_dim3A_10 = vector.shape_cast %reduce_sum3A_9 : vector<8xf32> to vector<1x8xf32>
    %add3A_11 = arith.addf %add3A, %broadcast_in_dim3A_10 : vector<1x8xf32>
    %slice3A_12 = vector.extract_strided_slice %convert_element_type3A_3 {offsets = [256, 0], sizes = [128, 8], strides = [1, 1]} : vector<2048x8xf32> to vector<128x8xf32>
    %reduce_sum3A_13 = arith.constant dense<0.000000e+00> : vector<8xf32>
    %reduce_sum3A_14 = vector.multi_reduction <add>, %slice3A_12, %reduce_sum3A_13 [0] : vector<128x8xf32> to vector<8xf32>
    %broadcast_in_dim3A_15 = vector.shape_cast %reduce_sum3A_14 : vector<8xf32> to vector<1x8xf32>
    %add3A_16 = arith.addf %add3A_11, %broadcast_in_dim3A_15 : vector<1x8xf32>
    %slice3A_17 = vector.extract_strided_slice %convert_element_type3A_3 {offsets = [384, 0], sizes = [128, 8], strides = [1, 1]} : vector<2048x8xf32> to vector<128x8xf32>
    %reduce_sum3A_18 = arith.constant dense<0.000000e+00> : vector<8xf32>
    %reduce_sum3A_19 = vector.multi_reduction <add>, %slice3A_17, %reduce_sum3A_18 [0] : vector<128x8xf32> to vector<8xf32>
    %broadcast_in_dim3A_20 = vector.shape_cast %reduce_sum3A_19 : vector<8xf32> to vector<1x8xf32>
    %add3A_21 = arith.addf %add3A_16, %broadcast_in_dim3A_20 : vector<1x8xf32>
    %slice3A_22 = vector.extract_strided_slice %convert_element_type3A_3 {offsets = [512, 0], sizes = [128, 8], strides = [1, 1]} : vector<2048x8xf32> to vector<128x8xf32>
    %reduce_sum3A_23 = arith.constant dense<0.000000e+00> : vector<8xf32>
    %reduce_sum3A_24 = vector.multi_reduction <add>, %slice3A_22, %reduce_sum3A_23 [0] : vector<128x8xf32> to vector<8xf32>
    %broadcast_in_dim3A_25 = vector.shape_cast %reduce_sum3A_24 : vector<8xf32> to vector<1x8xf32>
    %add3A_26 = arith.addf %add3A_21, %broadcast_in_dim3A_25 : vector<1x8xf32>
    %slice3A_27 = vector.extract_strided_slice %convert_element_type3A_3 {offsets = [640, 0], sizes = [128, 8], strides = [1, 1]} : vector<2048x8xf32> to vector<128x8xf32>
    %reduce_sum3A_28 = arith.constant dense<0.000000e+00> : vector<8xf32>
    %reduce_sum3A_29 = vector.multi_reduction <add>, %slice3A_27, %reduce_sum3A_28 [0] : vector<128x8xf32> to vector<8xf32>
    %broadcast_in_dim3A_30 = vector.shape_cast %reduce_sum3A_29 : vector<8xf32> to vector<1x8xf32>
    %add3A_31 = arith.addf %add3A_26, %broadcast_in_dim3A_30 : vector<1x8xf32>
    %slice3A_32 = vector.extract_strided_slice %convert_element_type3A_3 {offsets = [768, 0], sizes = [128, 8], strides = [1, 1]} : vector<2048x8xf32> to vector<128x8xf32>
    %reduce_sum3A_33 = arith.constant dense<0.000000e+00> : vector<8xf32>
    %reduce_sum3A_34 = vector.multi_reduction <add>, %slice3A_32, %reduce_sum3A_33 [0] : vector<128x8xf32> to vector<8xf32>
    %broadcast_in_dim3A_35 = vector.shape_cast %reduce_sum3A_34 : vector<8xf32> to vector<1x8xf32>
    %add3A_36 = arith.addf %add3A_31, %broadcast_in_dim3A_35 : vector<1x8xf32>
    %slice3A_37 = vector.extract_strided_slice %convert_element_type3A_3 {offsets = [896, 0], sizes = [128, 8], strides = [1, 1]} : vector<2048x8xf32> to vector<128x8xf32>
    %reduce_sum3A_38 = arith.constant dense<0.000000e+00> : vector<8xf32>
    %reduce_sum3A_39 = vector.multi_reduction <add>, %slice3A_37, %reduce_sum3A_38 [0] : vector<128x8xf32> to vector<8xf32>
    %broadcast_in_dim3A_40 = vector.shape_cast %reduce_sum3A_39 : vector<8xf32> to vector<1x8xf32>
    %add3A_41 = arith.addf %add3A_36, %broadcast_in_dim3A_40 : vector<1x8xf32>
    %slice3A_42 = vector.extract_strided_slice %convert_element_type3A_3 {offsets = [1024, 0], sizes = [128, 8], strides = [1, 1]} : vector<2048x8xf32> to vector<128x8xf32>
    %reduce_sum3A_43 = arith.constant dense<0.000000e+00> : vector<8xf32>
    %reduce_sum3A_44 = vector.multi_reduction <add>, %slice3A_42, %reduce_sum3A_43 [0] : vector<128x8xf32> to vector<8xf32>
    %broadcast_in_dim3A_45 = vector.shape_cast %reduce_sum3A_44 : vector<8xf32> to vector<1x8xf32>
    %add3A_46 = arith.addf %add3A_41, %broadcast_in_dim3A_45 : vector<1x8xf32>
    %slice3A_47 = vector.extract_strided_slice %convert_element_type3A_3 {offsets = [1152, 0], sizes = [128, 8], strides = [1, 1]} : vector<2048x8xf32> to vector<128x8xf32>
    %reduce_sum3A_48 = arith.constant dense<0.000000e+00> : vector<8xf32>
    %reduce_sum3A_49 = vector.multi_reduction <add>, %slice3A_47, %reduce_sum3A_48 [0] : vector<128x8xf32> to vector<8xf32>
    %broadcast_in_dim3A_50 = vector.shape_cast %reduce_sum3A_49 : vector<8xf32> to vector<1x8xf32>
    %add3A_51 = arith.addf %add3A_46, %broadcast_in_dim3A_50 : vector<1x8xf32>
    %slice3A_52 = vector.extract_strided_slice %convert_element_type3A_3 {offsets = [1280, 0], sizes = [128, 8], strides = [1, 1]} : vector<2048x8xf32> to vector<128x8xf32>
    %reduce_sum3A_53 = arith.constant dense<0.000000e+00> : vector<8xf32>
    %reduce_sum3A_54 = vector.multi_reduction <add>, %slice3A_52, %reduce_sum3A_53 [0] : vector<128x8xf32> to vector<8xf32>
    %broadcast_in_dim3A_55 = vector.shape_cast %reduce_sum3A_54 : vector<8xf32> to vector<1x8xf32>
    %add3A_56 = arith.addf %add3A_51, %broadcast_in_dim3A_55 : vector<1x8xf32>
    %slice3A_57 = vector.extract_strided_slice %convert_element_type3A_3 {offsets = [1408, 0], sizes = [128, 8], strides = [1, 1]} : vector<2048x8xf32> to vector<128x8xf32>
    %reduce_sum3A_58 = arith.constant dense<0.000000e+00> : vector<8xf32>
    %reduce_sum3A_59 = vector.multi_reduction <add>, %slice3A_57, %reduce_sum3A_58 [0] : vector<128x8xf32> to vector<8xf32>
    %broadcast_in_dim3A_60 = vector.shape_cast %reduce_sum3A_59 : vector<8xf32> to vector<1x8xf32>
    %add3A_61 = arith.addf %add3A_56, %broadcast_in_dim3A_60 : vector<1x8xf32>
    %slice3A_62 = vector.extract_strided_slice %convert_element_type3A_3 {offsets = [1536, 0], sizes = [128, 8], strides = [1, 1]} : vector<2048x8xf32> to vector<128x8xf32>
    %reduce_sum3A_63 = arith.constant dense<0.000000e+00> : vector<8xf32>
    %reduce_sum3A_64 = vector.multi_reduction <add>, %slice3A_62, %reduce_sum3A_63 [0] : vector<128x8xf32> to vector<8xf32>
    %broadcast_in_dim3A_65 = vector.shape_cast %reduce_sum3A_64 : vector<8xf32> to vector<1x8xf32>
    %add3A_66 = arith.addf %add3A_61, %broadcast_in_dim3A_65 : vector<1x8xf32>
    %slice3A_67 = vector.extract_strided_slice %convert_element_type3A_3 {offsets = [1664, 0], sizes = [128, 8], strides = [1, 1]} : vector<2048x8xf32> to vector<128x8xf32>
    %reduce_sum3A_68 = arith.constant dense<0.000000e+00> : vector<8xf32>
    %reduce_sum3A_69 = vector.multi_reduction <add>, %slice3A_67, %reduce_sum3A_68 [0] : vector<128x8xf32> to vector<8xf32>
    %broadcast_in_dim3A_70 = vector.shape_cast %reduce_sum3A_69 : vector<8xf32> to vector<1x8xf32>
    %add3A_71 = arith.addf %add3A_66, %broadcast_in_dim3A_70 : vector<1x8xf32>
    %slice3A_72 = vector.extract_strided_slice %convert_element_type3A_3 {offsets = [1792, 0], sizes = [128, 8], strides = [1, 1]} : vector<2048x8xf32> to vector<128x8xf32>
    %reduce_sum3A_73 = arith.constant dense<0.000000e+00> : vector<8xf32>
    %reduce_sum3A_74 = vector.multi_reduction <add>, %slice3A_72, %reduce_sum3A_73 [0] : vector<128x8xf32> to vector<8xf32>
    %broadcast_in_dim3A_75 = vector.shape_cast %reduce_sum3A_74 : vector<8xf32> to vector<1x8xf32>
    %add3A_76 = arith.addf %add3A_71, %broadcast_in_dim3A_75 : vector<1x8xf32>
    %slice3A_77 = vector.extract_strided_slice %convert_element_type3A_3 {offsets = [1920, 0], sizes = [128, 8], strides = [1, 1]} : vector<2048x8xf32> to vector<128x8xf32>
    %reduce_sum3A_78 = arith.constant dense<0.000000e+00> : vector<8xf32>
    %reduce_sum3A_79 = vector.multi_reduction <add>, %slice3A_77, %reduce_sum3A_78 [0] : vector<128x8xf32> to vector<8xf32>
    %broadcast_in_dim3A_80 = vector.shape_cast %reduce_sum3A_79 : vector<8xf32> to vector<1x8xf32>
    %add3A_81 = arith.addf %add3A_76, %broadcast_in_dim3A_80 : vector<1x8xf32>
    %iota3A_82 = tpu.iota {dimensions = array<i32: 0>} : vector<16x8xi32>
    %iota3A_83 = tpu.iota {dimensions = array<i32: 1>} : vector<16x8xi32>
    %broadcast_in_dim3A_84 = vector.shape_cast %add3A_81 : vector<1x8xf32> to vector<1x8xf32>
    %broadcast_in_dim3A_85 = vector.broadcast %broadcast_in_dim3A_84 : vector<1x8xf32> to vector<16x8xf32>
    %lt3A = arith.cmpi slt, %iota3A_83, %iota3A_82 : vector<16x8xi32>
    %jit3A = arith.constant 0.000000e+00 : f32
    %broadcast_in_dim3A_86 = vector.broadcast %jit3A : f32 to vector<16x8xf32>
    %select_n3A = arith.select %lt3A, %broadcast_in_dim3A_85, %broadcast_in_dim3A_86 : vector<16x8xi1>, vector<16x8xf32>
    %reduce_sum3A_87 = arith.constant dense<0.000000e+00> : vector<16xf32>
    %reduce_sum3A_88 = vector.multi_reduction <add>, %select_n3A, %reduce_sum3A_87 [1] : vector<16x8xf32> to vector<16xf32>
    %broadcast_in_dim3A_89 = vector.shape_cast %reduce_sum3A_88 : vector<16xf32> to vector<16x1xf32>
    %convert_element_type3A_90 = arith.fptosi %broadcast_in_dim3A_89 : vector<16x1xf32> to vector<16x1xi32>
    %swap3A = arith.constant 0 : index
    %swap3A_91 = arith.constant 0 : index
    %swap3A_92 = vector.load %arg2[%swap3A, %swap3A_91] : memref<16x1xi32, #tpu.memory_space<vmem>>, vector<16x1xi32>
    tpu.vector_store %arg2[%swap3A, %swap3A_91], %convert_element_type3A_90 {strides = array<i32>} : memref<16x1xi32, #tpu.memory_space<vmem>>, vector<16x1xi32>,
    %broadcast_in_dim3A_93 = vector.shape_cast %add3A_81 : vector<1x8xf32> to vector<1x8xf32>
    %broadcast_in_dim3A_94 = vector.broadcast %broadcast_in_dim3A_93 : vector<1x8xf32> to vector<2048x8xf32>
    %lt3A_95 = vector.broadcast %get3A_1 : vector<2048x1xi32> to vector<2048x8xi32>
    %lt3A_96 = arith.cmpi slt, %iota3A, %lt3A_95 : vector<2048x8xi32>
    %jit3A_97 = arith.constant 0.000000e+00 : f32
    %broadcast_in_dim3A_98 = vector.broadcast %jit3A_97 : f32 to vector<2048x8xf32>
    %select_n3A_99 = arith.select %lt3A_96, %broadcast_in_dim3A_94, %broadcast_in_dim3A_98 : vector<2048x8xi1>, vector<2048x8xf32>
    %reduce_sum3A_100 = arith.constant dense<0.000000e+00> : vector<2048xf32>
    %reduce_sum3A_101 = vector.multi_reduction <add>, %select_n3A_99, %reduce_sum3A_100 [1] : vector<2048x8xf32> to vector<2048xf32>
    %broadcast_in_dim3A_102 = vector.shape_cast %reduce_sum3A_101 : vector<2048xf32> to vector<2048x1xf32>
    %iota3A_103 = tpu.iota {dimensions = array<i32: 0>} : vector<128x128xi32>
    %iota3A_104 = tpu.iota {dimensions = array<i32: 1>} : vector<128x128xi32>
    %le3A = arith.cmpi sle, %iota3A_104, %iota3A_103 : vector<128x128xi32>
    %convert_element_type3A_105 = arith.extui %le3A : vector<128x128xi1> to vector<128x128xi32>
    %convert_element_type3A_106 = arith.sitofp %convert_element_type3A_105 : vector<128x128xi32> to vector<128x128xf32>
    %slice3A_107 = vector.extract_strided_slice %convert_element_type3A_3 {offsets = [0, 0], sizes = [128, 8], strides = [1, 1]} : vector<2048x8xf32> to vector<128x8xf32>
    %dot_general3A = arith.constant dense<0.000000e+00> : vector<128x8xf32>
    %dot_general3A_108 = tpu.matmul %convert_element_type3A_106, %slice3A_107, %dot_general3A {dimension_numbers = #tpu.dot_dimension_numbers<[1], [0], [0], [1], [0, 0, 1, 1], [], []>, transpose_lhs_hint = false} : vector<128x128xf32>, vector<128x8xf32>, vector<128x8xf32> -> vector<128x8xf32>
    %add3A_109 = vector.broadcast %broadcast_in_dim3A_4 : vector<1x8xf32> to vector<128x8xf32>
    %add3A_110 = arith.addf %dot_general3A_108, %add3A_109 : vector<128x8xf32>
    %sub3A = arith.constant 1.000000e+00 : f32
    %sub3A_111 = vector.broadcast %sub3A : f32 to vector<128x8xf32>
    %sub3A_112 = arith.subf %add3A_110, %sub3A_111 : vector<128x8xf32>
    %mul3A = arith.mulf %sub3A_112, %slice3A_107 : vector<128x8xf32>
    %reduce_sum3A_113 = arith.constant dense<0.000000e+00> : vector<128xf32>
    %reduce_sum3A_114 = vector.multi_reduction <add>, %mul3A, %reduce_sum3A_113 [1] : vector<128x8xf32> to vector<128xf32>
    %broadcast_in_dim3A_115 = vector.shape_cast %reduce_sum3A_114 : vector<128xf32> to vector<128x1xf32>
    %slice3A_116 = vector.extract_strided_slice %broadcast_in_dim3A_102 {offsets = [0, 0], sizes = [128, 1], strides = [1, 1]} : vector<2048x1xf32> to vector<128x1xf32>
    %add3A_117 = arith.addf %slice3A_116, %broadcast_in_dim3A_115 : vector<128x1xf32>
    %convert_element_type3A_118 = arith.fptosi %add3A_117 : vector<128x1xf32> to vector<128x1xi32>
    %swap3A_119 = arith.constant 0 : index
    %swap3A_120 = arith.constant 0 : index
    %swap3A_121 = vector.load %arg1[%swap3A_119, %swap3A_120] : memref<2048x1xi32, #tpu.memory_space<vmem>>, vector<128x1xi32>
    tpu.vector_store %arg1[%swap3A_119, %swap3A_120], %convert_element_type3A_118 {strides = array<i32>} : memref<2048x1xi32, #tpu.memory_space<vmem>>, vector<128x1xi32>,
    %slice3A_122 = vector.extract_strided_slice %convert_element_type3A_3 {offsets = [128, 0], sizes = [128, 8], strides = [1, 1]} : vector<2048x8xf32> to vector<128x8xf32>
    %dot_general3A_123 = arith.constant dense<0.000000e+00> : vector<128x8xf32>
    %dot_general3A_124 = tpu.matmul %convert_element_type3A_106, %slice3A_122, %dot_general3A_123 {dimension_numbers = #tpu.dot_dimension_numbers<[1], [0], [0], [1], [0, 0, 1, 1], [], []>, transpose_lhs_hint = false} : vector<128x128xf32>, vector<128x8xf32>, vector<128x8xf32> -> vector<128x8xf32>
    %add3A_125 = vector.broadcast %add3A : vector<1x8xf32> to vector<128x8xf32>
    %add3A_126 = arith.addf %dot_general3A_124, %add3A_125 : vector<128x8xf32>
    %sub3A_127 = arith.constant 1.000000e+00 : f32
    %sub3A_128 = vector.broadcast %sub3A_127 : f32 to vector<128x8xf32>
    %sub3A_129 = arith.subf %add3A_126, %sub3A_128 : vector<128x8xf32>
    %mul3A_130 = arith.mulf %sub3A_129, %slice3A_122 : vector<128x8xf32>
    %reduce_sum3A_131 = arith.constant dense<0.000000e+00> : vector<128xf32>
    %reduce_sum3A_132 = vector.multi_reduction <add>, %mul3A_130, %reduce_sum3A_131 [1] : vector<128x8xf32> to vector<128xf32>
    %broadcast_in_dim3A_133 = vector.shape_cast %reduce_sum3A_132 : vector<128xf32> to vector<128x1xf32>
    %slice3A_134 = vector.extract_strided_slice %broadcast_in_dim3A_102 {offsets = [128, 0], sizes = [128, 1], strides = [1, 1]} : vector<2048x1xf32> to vector<128x1xf32>
    %add3A_135 = arith.addf %slice3A_134, %broadcast_in_dim3A_133 : vector<128x1xf32>
    %convert_element_type3A_136 = arith.fptosi %add3A_135 : vector<128x1xf32> to vector<128x1xi32>
    %swap3A_137 = arith.constant 128 : index
    %swap3A_138 = arith.constant 0 : index
    %swap3A_139 = vector.load %arg1[%swap3A_137, %swap3A_138] : memref<2048x1xi32, #tpu.memory_space<vmem>>, vector<128x1xi32>
    tpu.vector_store %arg1[%swap3A_137, %swap3A_138], %convert_element_type3A_136 {strides = array<i32>} : memref<2048x1xi32, #tpu.memory_space<vmem>>, vector<128x1xi32>,
    %slice3A_140 = vector.extract_strided_slice %convert_element_type3A_3 {offsets = [256, 0], sizes = [128, 8], strides = [1, 1]} : vector<2048x8xf32> to vector<128x8xf32>
    %dot_general3A_141 = arith.constant dense<0.000000e+00> : vector<128x8xf32>
    %dot_general3A_142 = tpu.matmul %convert_element_type3A_106, %slice3A_140, %dot_general3A_141 {dimension_numbers = #tpu.dot_dimension_numbers<[1], [0], [0], [1], [0, 0, 1, 1], [], []>, transpose_lhs_hint = false} : vector<128x128xf32>, vector<128x8xf32>, vector<128x8xf32> -> vector<128x8xf32>
    %add3A_143 = vector.broadcast %add3A_11 : vector<1x8xf32> to vector<128x8xf32>
    %add3A_144 = arith.addf %dot_general3A_142, %add3A_143 : vector<128x8xf32>
    %sub3A_145 = arith.constant 1.000000e+00 : f32
    %sub3A_146 = vector.broadcast %sub3A_145 : f32 to vector<128x8xf32>
    %sub3A_147 = arith.subf %add3A_144, %sub3A_146 : vector<128x8xf32>
    %mul3A_148 = arith.mulf %sub3A_147, %slice3A_140 : vector<128x8xf32>
    %reduce_sum3A_149 = arith.constant dense<0.000000e+00> : vector<128xf32>
    %reduce_sum3A_150 = vector.multi_reduction <add>, %mul3A_148, %reduce_sum3A_149 [1] : vector<128x8xf32> to vector<128xf32>
    %broadcast_in_dim3A_151 = vector.shape_cast %reduce_sum3A_150 : vector<128xf32> to vector<128x1xf32>
    %slice3A_152 = vector.extract_strided_slice %broadcast_in_dim3A_102 {offsets = [256, 0], sizes = [128, 1], strides = [1, 1]} : vector<2048x1xf32> to vector<128x1xf32>
    %add3A_153 = arith.addf %slice3A_152, %broadcast_in_dim3A_151 : vector<128x1xf32>
    %convert_element_type3A_154 = arith.fptosi %add3A_153 : vector<128x1xf32> to vector<128x1xi32>
    %swap3A_155 = arith.constant 256 : index
    %swap3A_156 = arith.constant 0 : index
    %swap3A_157 = vector.load %arg1[%swap3A_155, %swap3A_156] : memref<2048x1xi32, #tpu.memory_space<vmem>>, vector<128x1xi32>
    tpu.vector_store %arg1[%swap3A_155, %swap3A_156], %convert_element_type3A_154 {strides = array<i32>} : memref<2048x1xi32, #tpu.memory_space<vmem>>, vector<128x1xi32>,
    %slice3A_158 = vector.extract_strided_slice %convert_element_type3A_3 {offsets = [384, 0], sizes = [128, 8], strides = [1, 1]} : vector<2048x8xf32> to vector<128x8xf32>
    %dot_general3A_159 = arith.constant dense<0.000000e+00> : vector<128x8xf32>
    %dot_general3A_160 = tpu.matmul %convert_element_type3A_106, %slice3A_158, %dot_general3A_159 {dimension_numbers = #tpu.dot_dimension_numbers<[1], [0], [0], [1], [0, 0, 1, 1], [], []>, transpose_lhs_hint = false} : vector<128x128xf32>, vector<128x8xf32>, vector<128x8xf32> -> vector<128x8xf32>
    %add3A_161 = vector.broadcast %add3A_16 : vector<1x8xf32> to vector<128x8xf32>
    %add3A_162 = arith.addf %dot_general3A_160, %add3A_161 : vector<128x8xf32>
    %sub3A_163 = arith.constant 1.000000e+00 : f32
    %sub3A_164 = vector.broadcast %sub3A_163 : f32 to vector<128x8xf32>
    %sub3A_165 = arith.subf %add3A_162, %sub3A_164 : vector<128x8xf32>
    %mul3A_166 = arith.mulf %sub3A_165, %slice3A_158 : vector<128x8xf32>
    %reduce_sum3A_167 = arith.constant dense<0.000000e+00> : vector<128xf32>
    %reduce_sum3A_168 = vector.multi_reduction <add>, %mul3A_166, %reduce_sum3A_167 [1] : vector<128x8xf32> to vector<128xf32>
    %broadcast_in_dim3A_169 = vector.shape_cast %reduce_sum3A_168 : vector<128xf32> to vector<128x1xf32>
    %slice3A_170 = vector.extract_strided_slice %broadcast_in_dim3A_102 {offsets = [384, 0], sizes = [128, 1], strides = [1, 1]} : vector<2048x1xf32> to vector<128x1xf32>
    %add3A_171 = arith.addf %slice3A_170, %broadcast_in_dim3A_169 : vector<128x1xf32>
    %convert_element_type3A_172 = arith.fptosi %add3A_171 : vector<128x1xf32> to vector<128x1xi32>
    %swap3A_173 = arith.constant 384 : index
    %swap3A_174 = arith.constant 0 : index
    %swap3A_175 = vector.load %arg1[%swap3A_173, %swap3A_174] : memref<2048x1xi32, #tpu.memory_space<vmem>>, vector<128x1xi32>
    tpu.vector_store %arg1[%swap3A_173, %swap3A_174], %convert_element_type3A_172 {strides = array<i32>} : memref<2048x1xi32, #tpu.memory_space<vmem>>, vector<128x1xi32>,
    %slice3A_176 = vector.extract_strided_slice %convert_element_type3A_3 {offsets = [512, 0], sizes = [128, 8], strides = [1, 1]} : vector<2048x8xf32> to vector<128x8xf32>
    %dot_general3A_177 = arith.constant dense<0.000000e+00> : vector<128x8xf32>
    %dot_general3A_178 = tpu.matmul %convert_element_type3A_106, %slice3A_176, %dot_general3A_177 {dimension_numbers = #tpu.dot_dimension_numbers<[1], [0], [0], [1], [0, 0, 1, 1], [], []>, transpose_lhs_hint = false} : vector<128x128xf32>, vector<128x8xf32>, vector<128x8xf32> -> vector<128x8xf32>
    %add3A_179 = vector.broadcast %add3A_21 : vector<1x8xf32> to vector<128x8xf32>
    %add3A_180 = arith.addf %dot_general3A_178, %add3A_179 : vector<128x8xf32>
    %sub3A_181 = arith.constant 1.000000e+00 : f32
    %sub3A_182 = vector.broadcast %sub3A_181 : f32 to vector<128x8xf32>
    %sub3A_183 = arith.subf %add3A_180, %sub3A_182 : vector<128x8xf32>
    %mul3A_184 = arith.mulf %sub3A_183, %slice3A_176 : vector<128x8xf32>
    %reduce_sum3A_185 = arith.constant dense<0.000000e+00> : vector<128xf32>
    %reduce_sum3A_186 = vector.multi_reduction <add>, %mul3A_184, %reduce_sum3A_185 [1] : vector<128x8xf32> to vector<128xf32>
    %broadcast_in_dim3A_187 = vector.shape_cast %reduce_sum3A_186 : vector<128xf32> to vector<128x1xf32>
    %slice3A_188 = vector.extract_strided_slice %broadcast_in_dim3A_102 {offsets = [512, 0], sizes = [128, 1], strides = [1, 1]} : vector<2048x1xf32> to vector<128x1xf32>
    %add3A_189 = arith.addf %slice3A_188, %broadcast_in_dim3A_187 : vector<128x1xf32>
    %convert_element_type3A_190 = arith.fptosi %add3A_189 : vector<128x1xf32> to vector<128x1xi32>
    %swap3A_191 = arith.constant 512 : index
    %swap3A_192 = arith.constant 0 : index
    %swap3A_193 = vector.load %arg1[%swap3A_191, %swap3A_192] : memref<2048x1xi32, #tpu.memory_space<vmem>>, vector<128x1xi32>
    tpu.vector_store %arg1[%swap3A_191, %swap3A_192], %convert_element_type3A_190 {strides = array<i32>} : memref<2048x1xi32, #tpu.memory_space<vmem>>, vector<128x1xi32>,
    %slice3A_194 = vector.extract_strided_slice %convert_element_type3A_3 {offsets = [640, 0], sizes = [128, 8], strides = [1, 1]} : vector<2048x8xf32> to vector<128x8xf32>
    %dot_general3A_195 = arith.constant dense<0.000000e+00> : vector<128x8xf32>
    %dot_general3A_196 = tpu.matmul %convert_element_type3A_106, %slice3A_194, %dot_general3A_195 {dimension_numbers = #tpu.dot_dimension_numbers<[1], [0], [0], [1], [0, 0, 1, 1], [], []>, transpose_lhs_hint = false} : vector<128x128xf32>, vector<128x8xf32>, vector<128x8xf32> -> vector<128x8xf32>
    %add3A_197 = vector.broadcast %add3A_26 : vector<1x8xf32> to vector<128x8xf32>
    %add3A_198 = arith.addf %dot_general3A_196, %add3A_197 : vector<128x8xf32>
    %sub3A_199 = arith.constant 1.000000e+00 : f32
    %sub3A_200 = vector.broadcast %sub3A_199 : f32 to vector<128x8xf32>
    %sub3A_201 = arith.subf %add3A_198, %sub3A_200 : vector<128x8xf32>
    %mul3A_202 = arith.mulf %sub3A_201, %slice3A_194 : vector<128x8xf32>
    %reduce_sum3A_203 = arith.constant dense<0.000000e+00> : vector<128xf32>
    %reduce_sum3A_204 = vector.multi_reduction <add>, %mul3A_202, %reduce_sum3A_203 [1] : vector<128x8xf32> to vector<128xf32>
    %broadcast_in_dim3A_205 = vector.shape_cast %reduce_sum3A_204 : vector<128xf32> to vector<128x1xf32>
    %slice3A_206 = vector.extract_strided_slice %broadcast_in_dim3A_102 {offsets = [640, 0], sizes = [128, 1], strides = [1, 1]} : vector<2048x1xf32> to vector<128x1xf32>
    %add3A_207 = arith.addf %slice3A_206, %broadcast_in_dim3A_205 : vector<128x1xf32>
    %convert_element_type3A_208 = arith.fptosi %add3A_207 : vector<128x1xf32> to vector<128x1xi32>
    %swap3A_209 = arith.constant 640 : index
    %swap3A_210 = arith.constant 0 : index
    %swap3A_211 = vector.load %arg1[%swap3A_209, %swap3A_210] : memref<2048x1xi32, #tpu.memory_space<vmem>>, vector<128x1xi32>
    tpu.vector_store %arg1[%swap3A_209, %swap3A_210], %convert_element_type3A_208 {strides = array<i32>} : memref<2048x1xi32, #tpu.memory_space<vmem>>, vector<128x1xi32>,
    %slice3A_212 = vector.extract_strided_slice %convert_element_type3A_3 {offsets = [768, 0], sizes = [128, 8], strides = [1, 1]} : vector<2048x8xf32> to vector<128x8xf32>
    %dot_general3A_213 = arith.constant dense<0.000000e+00> : vector<128x8xf32>
    %dot_general3A_214 = tpu.matmul %convert_element_type3A_106, %slice3A_212, %dot_general3A_213 {dimension_numbers = #tpu.dot_dimension_numbers<[1], [0], [0], [1], [0, 0, 1, 1], [], []>, transpose_lhs_hint = false} : vector<128x128xf32>, vector<128x8xf32>, vector<128x8xf32> -> vector<128x8xf32>
    %add3A_215 = vector.broadcast %add3A_31 : vector<1x8xf32> to vector<128x8xf32>
    %add3A_216 = arith.addf %dot_general3A_214, %add3A_215 : vector<128x8xf32>
    %sub3A_217 = arith.constant 1.000000e+00 : f32
    %sub3A_218 = vector.broadcast %sub3A_217 : f32 to vector<128x8xf32>
    %sub3A_219 = arith.subf %add3A_216, %sub3A_218 : vector<128x8xf32>
    %mul3A_220 = arith.mulf %sub3A_219, %slice3A_212 : vector<128x8xf32>
    %reduce_sum3A_221 = arith.constant dense<0.000000e+00> : vector<128xf32>
    %reduce_sum3A_222 = vector.multi_reduction <add>, %mul3A_220, %reduce_sum3A_221 [1] : vector<128x8xf32> to vector<128xf32>
    %broadcast_in_dim3A_223 = vector.shape_cast %reduce_sum3A_222 : vector<128xf32> to vector<128x1xf32>
    %slice3A_224 = vector.extract_strided_slice %broadcast_in_dim3A_102 {offsets = [768, 0], sizes = [128, 1], strides = [1, 1]} : vector<2048x1xf32> to vector<128x1xf32>
    %add3A_225 = arith.addf %slice3A_224, %broadcast_in_dim3A_223 : vector<128x1xf32>
    %convert_element_type3A_226 = arith.fptosi %add3A_225 : vector<128x1xf32> to vector<128x1xi32>
    %swap3A_227 = arith.constant 768 : index
    %swap3A_228 = arith.constant 0 : index
    %swap3A_229 = vector.load %arg1[%swap3A_227, %swap3A_228] : memref<2048x1xi32, #tpu.memory_space<vmem>>, vector<128x1xi32>
    tpu.vector_store %arg1[%swap3A_227, %swap3A_228], %convert_element_type3A_226 {strides = array<i32>} : memref<2048x1xi32, #tpu.memory_space<vmem>>, vector<128x1xi32>,
    %slice3A_230 = vector.extract_strided_slice %convert_element_type3A_3 {offsets = [896, 0], sizes = [128, 8], strides = [1, 1]} : vector<2048x8xf32> to vector<128x8xf32>
    %dot_general3A_231 = arith.constant dense<0.000000e+00> : vector<128x8xf32>
    %dot_general3A_232 = tpu.matmul %convert_element_type3A_106, %slice3A_230, %dot_general3A_231 {dimension_numbers = #tpu.dot_dimension_numbers<[1], [0], [0], [1], [0, 0, 1, 1], [], []>, transpose_lhs_hint = false} : vector<128x128xf32>, vector<128x8xf32>, vector<128x8xf32> -> vector<128x8xf32>
    %add3A_233 = vector.broadcast %add3A_36 : vector<1x8xf32> to vector<128x8xf32>
    %add3A_234 = arith.addf %dot_general3A_232, %add3A_233 : vector<128x8xf32>
    %sub3A_235 = arith.constant 1.000000e+00 : f32
    %sub3A_236 = vector.broadcast %sub3A_235 : f32 to vector<128x8xf32>
    %sub3A_237 = arith.subf %add3A_234, %sub3A_236 : vector<128x8xf32>
    %mul3A_238 = arith.mulf %sub3A_237, %slice3A_230 : vector<128x8xf32>
    %reduce_sum3A_239 = arith.constant dense<0.000000e+00> : vector<128xf32>
    %reduce_sum3A_240 = vector.multi_reduction <add>, %mul3A_238, %reduce_sum3A_239 [1] : vector<128x8xf32> to vector<128xf32>
    %broadcast_in_dim3A_241 = vector.shape_cast %reduce_sum3A_240 : vector<128xf32> to vector<128x1xf32>
    %slice3A_242 = vector.extract_strided_slice %broadcast_in_dim3A_102 {offsets = [896, 0], sizes = [128, 1], strides = [1, 1]} : vector<2048x1xf32> to vector<128x1xf32>
    %add3A_243 = arith.addf %slice3A_242, %broadcast_in_dim3A_241 : vector<128x1xf32>
    %convert_element_type3A_244 = arith.fptosi %add3A_243 : vector<128x1xf32> to vector<128x1xi32>
    %swap3A_245 = arith.constant 896 : index
    %swap3A_246 = arith.constant 0 : index
    %swap3A_247 = vector.load %arg1[%swap3A_245, %swap3A_246] : memref<2048x1xi32, #tpu.memory_space<vmem>>, vector<128x1xi32>
    tpu.vector_store %arg1[%swap3A_245, %swap3A_246], %convert_element_type3A_244 {strides = array<i32>} : memref<2048x1xi32, #tpu.memory_space<vmem>>, vector<128x1xi32>,
    %slice3A_248 = vector.extract_strided_slice %convert_element_type3A_3 {offsets = [1024, 0], sizes = [128, 8], strides = [1, 1]} : vector<2048x8xf32> to vector<128x8xf32>
    %dot_general3A_249 = arith.constant dense<0.000000e+00> : vector<128x8xf32>
    %dot_general3A_250 = tpu.matmul %convert_element_type3A_106, %slice3A_248, %dot_general3A_249 {dimension_numbers = #tpu.dot_dimension_numbers<[1], [0], [0], [1], [0, 0, 1, 1], [], []>, transpose_lhs_hint = false} : vector<128x128xf32>, vector<128x8xf32>, vector<128x8xf32> -> vector<128x8xf32>
    %add3A_251 = vector.broadcast %add3A_41 : vector<1x8xf32> to vector<128x8xf32>
    %add3A_252 = arith.addf %dot_general3A_250, %add3A_251 : vector<128x8xf32>
    %sub3A_253 = arith.constant 1.000000e+00 : f32
    %sub3A_254 = vector.broadcast %sub3A_253 : f32 to vector<128x8xf32>
    %sub3A_255 = arith.subf %add3A_252, %sub3A_254 : vector<128x8xf32>
    %mul3A_256 = arith.mulf %sub3A_255, %slice3A_248 : vector<128x8xf32>
    %reduce_sum3A_257 = arith.constant dense<0.000000e+00> : vector<128xf32>
    %reduce_sum3A_258 = vector.multi_reduction <add>, %mul3A_256, %reduce_sum3A_257 [1] : vector<128x8xf32> to vector<128xf32>
    %broadcast_in_dim3A_259 = vector.shape_cast %reduce_sum3A_258 : vector<128xf32> to vector<128x1xf32>
    %slice3A_260 = vector.extract_strided_slice %broadcast_in_dim3A_102 {offsets = [1024, 0], sizes = [128, 1], strides = [1, 1]} : vector<2048x1xf32> to vector<128x1xf32>
    %add3A_261 = arith.addf %slice3A_260, %broadcast_in_dim3A_259 : vector<128x1xf32>
    %convert_element_type3A_262 = arith.fptosi %add3A_261 : vector<128x1xf32> to vector<128x1xi32>
    %swap3A_263 = arith.constant 1024 : index
    %swap3A_264 = arith.constant 0 : index
    %swap3A_265 = vector.load %arg1[%swap3A_263, %swap3A_264] : memref<2048x1xi32, #tpu.memory_space<vmem>>, vector<128x1xi32>
    tpu.vector_store %arg1[%swap3A_263, %swap3A_264], %convert_element_type3A_262 {strides = array<i32>} : memref<2048x1xi32, #tpu.memory_space<vmem>>, vector<128x1xi32>,
    %slice3A_266 = vector.extract_strided_slice %convert_element_type3A_3 {offsets = [1152, 0], sizes = [128, 8], strides = [1, 1]} : vector<2048x8xf32> to vector<128x8xf32>
    %dot_general3A_267 = arith.constant dense<0.000000e+00> : vector<128x8xf32>
    %dot_general3A_268 = tpu.matmul %convert_element_type3A_106, %slice3A_266, %dot_general3A_267 {dimension_numbers = #tpu.dot_dimension_numbers<[1], [0], [0], [1], [0, 0, 1, 1], [], []>, transpose_lhs_hint = false} : vector<128x128xf32>, vector<128x8xf32>, vector<128x8xf32> -> vector<128x8xf32>
    %add3A_269 = vector.broadcast %add3A_46 : vector<1x8xf32> to vector<128x8xf32>
    %add3A_270 = arith.addf %dot_general3A_268, %add3A_269 : vector<128x8xf32>
    %sub3A_271 = arith.constant 1.000000e+00 : f32
    %sub3A_272 = vector.broadcast %sub3A_271 : f32 to vector<128x8xf32>
    %sub3A_273 = arith.subf %add3A_270, %sub3A_272 : vector<128x8xf32>
    %mul3A_274 = arith.mulf %sub3A_273, %slice3A_266 : vector<128x8xf32>
    %reduce_sum3A_275 = arith.constant dense<0.000000e+00> : vector<128xf32>
    %reduce_sum3A_276 = vector.multi_reduction <add>, %mul3A_274, %reduce_sum3A_275 [1] : vector<128x8xf32> to vector<128xf32>
    %broadcast_in_dim3A_277 = vector.shape_cast %reduce_sum3A_276 : vector<128xf32> to vector<128x1xf32>
    %slice3A_278 = vector.extract_strided_slice %broadcast_in_dim3A_102 {offsets = [1152, 0], sizes = [128, 1], strides = [1, 1]} : vector<2048x1xf32> to vector<128x1xf32>
    %add3A_279 = arith.addf %slice3A_278, %broadcast_in_dim3A_277 : vector<128x1xf32>
    %convert_element_type3A_280 = arith.fptosi %add3A_279 : vector<128x1xf32> to vector<128x1xi32>
    %swap3A_281 = arith.constant 1152 : index
    %swap3A_282 = arith.constant 0 : index
    %swap3A_283 = vector.load %arg1[%swap3A_281, %swap3A_282] : memref<2048x1xi32, #tpu.memory_space<vmem>>, vector<128x1xi32>
    tpu.vector_store %arg1[%swap3A_281, %swap3A_282], %convert_element_type3A_280 {strides = array<i32>} : memref<2048x1xi32, #tpu.memory_space<vmem>>, vector<128x1xi32>,
    %slice3A_284 = vector.extract_strided_slice %convert_element_type3A_3 {offsets = [1280, 0], sizes = [128, 8], strides = [1, 1]} : vector<2048x8xf32> to vector<128x8xf32>
    %dot_general3A_285 = arith.constant dense<0.000000e+00> : vector<128x8xf32>
    %dot_general3A_286 = tpu.matmul %convert_element_type3A_106, %slice3A_284, %dot_general3A_285 {dimension_numbers = #tpu.dot_dimension_numbers<[1], [0], [0], [1], [0, 0, 1, 1], [], []>, transpose_lhs_hint = false} : vector<128x128xf32>, vector<128x8xf32>, vector<128x8xf32> -> vector<128x8xf32>
    %add3A_287 = vector.broadcast %add3A_51 : vector<1x8xf32> to vector<128x8xf32>
    %add3A_288 = arith.addf %dot_general3A_286, %add3A_287 : vector<128x8xf32>
    %sub3A_289 = arith.constant 1.000000e+00 : f32
    %sub3A_290 = vector.broadcast %sub3A_289 : f32 to vector<128x8xf32>
    %sub3A_291 = arith.subf %add3A_288, %sub3A_290 : vector<128x8xf32>
    %mul3A_292 = arith.mulf %sub3A_291, %slice3A_284 : vector<128x8xf32>
    %reduce_sum3A_293 = arith.constant dense<0.000000e+00> : vector<128xf32>
    %reduce_sum3A_294 = vector.multi_reduction <add>, %mul3A_292, %reduce_sum3A_293 [1] : vector<128x8xf32> to vector<128xf32>
    %broadcast_in_dim3A_295 = vector.shape_cast %reduce_sum3A_294 : vector<128xf32> to vector<128x1xf32>
    %slice3A_296 = vector.extract_strided_slice %broadcast_in_dim3A_102 {offsets = [1280, 0], sizes = [128, 1], strides = [1, 1]} : vector<2048x1xf32> to vector<128x1xf32>
    %add3A_297 = arith.addf %slice3A_296, %broadcast_in_dim3A_295 : vector<128x1xf32>
    %convert_element_type3A_298 = arith.fptosi %add3A_297 : vector<128x1xf32> to vector<128x1xi32>
    %swap3A_299 = arith.constant 1280 : index
    %swap3A_300 = arith.constant 0 : index
    %swap3A_301 = vector.load %arg1[%swap3A_299, %swap3A_300] : memref<2048x1xi32, #tpu.memory_space<vmem>>, vector<128x1xi32>
    tpu.vector_store %arg1[%swap3A_299, %swap3A_300], %convert_element_type3A_298 {strides = array<i32>} : memref<2048x1xi32, #tpu.memory_space<vmem>>, vector<128x1xi32>,
    %slice3A_302 = vector.extract_strided_slice %convert_element_type3A_3 {offsets = [1408, 0], sizes = [128, 8], strides = [1, 1]} : vector<2048x8xf32> to vector<128x8xf32>
    %dot_general3A_303 = arith.constant dense<0.000000e+00> : vector<128x8xf32>
    %dot_general3A_304 = tpu.matmul %convert_element_type3A_106, %slice3A_302, %dot_general3A_303 {dimension_numbers = #tpu.dot_dimension_numbers<[1], [0], [0], [1], [0, 0, 1, 1], [], []>, transpose_lhs_hint = false} : vector<128x128xf32>, vector<128x8xf32>, vector<128x8xf32> -> vector<128x8xf32>
    %add3A_305 = vector.broadcast %add3A_56 : vector<1x8xf32> to vector<128x8xf32>
    %add3A_306 = arith.addf %dot_general3A_304, %add3A_305 : vector<128x8xf32>
    %sub3A_307 = arith.constant 1.000000e+00 : f32
    %sub3A_308 = vector.broadcast %sub3A_307 : f32 to vector<128x8xf32>
    %sub3A_309 = arith.subf %add3A_306, %sub3A_308 : vector<128x8xf32>
    %mul3A_310 = arith.mulf %sub3A_309, %slice3A_302 : vector<128x8xf32>
    %reduce_sum3A_311 = arith.constant dense<0.000000e+00> : vector<128xf32>
    %reduce_sum3A_312 = vector.multi_reduction <add>, %mul3A_310, %reduce_sum3A_311 [1] : vector<128x8xf32> to vector<128xf32>
    %broadcast_in_dim3A_313 = vector.shape_cast %reduce_sum3A_312 : vector<128xf32> to vector<128x1xf32>
    %slice3A_314 = vector.extract_strided_slice %broadcast_in_dim3A_102 {offsets = [1408, 0], sizes = [128, 1], strides = [1, 1]} : vector<2048x1xf32> to vector<128x1xf32>
    %add3A_315 = arith.addf %slice3A_314, %broadcast_in_dim3A_313 : vector<128x1xf32>
    %convert_element_type3A_316 = arith.fptosi %add3A_315 : vector<128x1xf32> to vector<128x1xi32>
    %swap3A_317 = arith.constant 1408 : index
    %swap3A_318 = arith.constant 0 : index
    %swap3A_319 = vector.load %arg1[%swap3A_317, %swap3A_318] : memref<2048x1xi32, #tpu.memory_space<vmem>>, vector<128x1xi32>
    tpu.vector_store %arg1[%swap3A_317, %swap3A_318], %convert_element_type3A_316 {strides = array<i32>} : memref<2048x1xi32, #tpu.memory_space<vmem>>, vector<128x1xi32>,
    %slice3A_320 = vector.extract_strided_slice %convert_element_type3A_3 {offsets = [1536, 0], sizes = [128, 8], strides = [1, 1]} : vector<2048x8xf32> to vector<128x8xf32>
    %dot_general3A_321 = arith.constant dense<0.000000e+00> : vector<128x8xf32>
    %dot_general3A_322 = tpu.matmul %convert_element_type3A_106, %slice3A_320, %dot_general3A_321 {dimension_numbers = #tpu.dot_dimension_numbers<[1], [0], [0], [1], [0, 0, 1, 1], [], []>, transpose_lhs_hint = false} : vector<128x128xf32>, vector<128x8xf32>, vector<128x8xf32> -> vector<128x8xf32>
    %add3A_323 = vector.broadcast %add3A_61 : vector<1x8xf32> to vector<128x8xf32>
    %add3A_324 = arith.addf %dot_general3A_322, %add3A_323 : vector<128x8xf32>
    %sub3A_325 = arith.constant 1.000000e+00 : f32
    %sub3A_326 = vector.broadcast %sub3A_325 : f32 to vector<128x8xf32>
    %sub3A_327 = arith.subf %add3A_324, %sub3A_326 : vector<128x8xf32>
    %mul3A_328 = arith.mulf %sub3A_327, %slice3A_320 : vector<128x8xf32>
    %reduce_sum3A_329 = arith.constant dense<0.000000e+00> : vector<128xf32>
    %reduce_sum3A_330 = vector.multi_reduction <add>, %mul3A_328, %reduce_sum3A_329 [1] : vector<128x8xf32> to vector<128xf32>
    %broadcast_in_dim3A_331 = vector.shape_cast %reduce_sum3A_330 : vector<128xf32> to vector<128x1xf32>
    %slice3A_332 = vector.extract_strided_slice %broadcast_in_dim3A_102 {offsets = [1536, 0], sizes = [128, 1], strides = [1, 1]} : vector<2048x1xf32> to vector<128x1xf32>
    %add3A_333 = arith.addf %slice3A_332, %broadcast_in_dim3A_331 : vector<128x1xf32>
    %convert_element_type3A_334 = arith.fptosi %add3A_333 : vector<128x1xf32> to vector<128x1xi32>
    %swap3A_335 = arith.constant 1536 : index
    %swap3A_336 = arith.constant 0 : index
    %swap3A_337 = vector.load %arg1[%swap3A_335, %swap3A_336] : memref<2048x1xi32, #tpu.memory_space<vmem>>, vector<128x1xi32>
    tpu.vector_store %arg1[%swap3A_335, %swap3A_336], %convert_element_type3A_334 {strides = array<i32>} : memref<2048x1xi32, #tpu.memory_space<vmem>>, vector<128x1xi32>,
    %slice3A_338 = vector.extract_strided_slice %convert_element_type3A_3 {offsets = [1664, 0], sizes = [128, 8], strides = [1, 1]} : vector<2048x8xf32> to vector<128x8xf32>
    %dot_general3A_339 = arith.constant dense<0.000000e+00> : vector<128x8xf32>
    %dot_general3A_340 = tpu.matmul %convert_element_type3A_106, %slice3A_338, %dot_general3A_339 {dimension_numbers = #tpu.dot_dimension_numbers<[1], [0], [0], [1], [0, 0, 1, 1], [], []>, transpose_lhs_hint = false} : vector<128x128xf32>, vector<128x8xf32>, vector<128x8xf32> -> vector<128x8xf32>
    %add3A_341 = vector.broadcast %add3A_66 : vector<1x8xf32> to vector<128x8xf32>
    %add3A_342 = arith.addf %dot_general3A_340, %add3A_341 : vector<128x8xf32>
    %sub3A_343 = arith.constant 1.000000e+00 : f32
    %sub3A_344 = vector.broadcast %sub3A_343 : f32 to vector<128x8xf32>
    %sub3A_345 = arith.subf %add3A_342, %sub3A_344 : vector<128x8xf32>
    %mul3A_346 = arith.mulf %sub3A_345, %slice3A_338 : vector<128x8xf32>
    %reduce_sum3A_347 = arith.constant dense<0.000000e+00> : vector<128xf32>
    %reduce_sum3A_348 = vector.multi_reduction <add>, %mul3A_346, %reduce_sum3A_347 [1] : vector<128x8xf32> to vector<128xf32>
    %broadcast_in_dim3A_349 = vector.shape_cast %reduce_sum3A_348 : vector<128xf32> to vector<128x1xf32>
    %slice3A_350 = vector.extract_strided_slice %broadcast_in_dim3A_102 {offsets = [1664, 0], sizes = [128, 1], strides = [1, 1]} : vector<2048x1xf32> to vector<128x1xf32>
    %add3A_351 = arith.addf %slice3A_350, %broadcast_in_dim3A_349 : vector<128x1xf32>
    %convert_element_type3A_352 = arith.fptosi %add3A_351 : vector<128x1xf32> to vector<128x1xi32>
    %swap3A_353 = arith.constant 1664 : index
    %swap3A_354 = arith.constant 0 : index
    %swap3A_355 = vector.load %arg1[%swap3A_353, %swap3A_354] : memref<2048x1xi32, #tpu.memory_space<vmem>>, vector<128x1xi32>
    tpu.vector_store %arg1[%swap3A_353, %swap3A_354], %convert_element_type3A_352 {strides = array<i32>} : memref<2048x1xi32, #tpu.memory_space<vmem>>, vector<128x1xi32>,
    %slice3A_356 = vector.extract_strided_slice %convert_element_type3A_3 {offsets = [1792, 0], sizes = [128, 8], strides = [1, 1]} : vector<2048x8xf32> to vector<128x8xf32>
    %dot_general3A_357 = arith.constant dense<0.000000e+00> : vector<128x8xf32>
    %dot_general3A_358 = tpu.matmul %convert_element_type3A_106, %slice3A_356, %dot_general3A_357 {dimension_numbers = #tpu.dot_dimension_numbers<[1], [0], [0], [1], [0, 0, 1, 1], [], []>, transpose_lhs_hint = false} : vector<128x128xf32>, vector<128x8xf32>, vector<128x8xf32> -> vector<128x8xf32>
    %add3A_359 = vector.broadcast %add3A_71 : vector<1x8xf32> to vector<128x8xf32>
    %add3A_360 = arith.addf %dot_general3A_358, %add3A_359 : vector<128x8xf32>
    %sub3A_361 = arith.constant 1.000000e+00 : f32
    %sub3A_362 = vector.broadcast %sub3A_361 : f32 to vector<128x8xf32>
    %sub3A_363 = arith.subf %add3A_360, %sub3A_362 : vector<128x8xf32>
    %mul3A_364 = arith.mulf %sub3A_363, %slice3A_356 : vector<128x8xf32>
    %reduce_sum3A_365 = arith.constant dense<0.000000e+00> : vector<128xf32>
    %reduce_sum3A_366 = vector.multi_reduction <add>, %mul3A_364, %reduce_sum3A_365 [1] : vector<128x8xf32> to vector<128xf32>
    %broadcast_in_dim3A_367 = vector.shape_cast %reduce_sum3A_366 : vector<128xf32> to vector<128x1xf32>
    %slice3A_368 = vector.extract_strided_slice %broadcast_in_dim3A_102 {offsets = [1792, 0], sizes = [128, 1], strides = [1, 1]} : vector<2048x1xf32> to vector<128x1xf32>
    %add3A_369 = arith.addf %slice3A_368, %broadcast_in_dim3A_367 : vector<128x1xf32>
    %convert_element_type3A_370 = arith.fptosi %add3A_369 : vector<128x1xf32> to vector<128x1xi32>
    %swap3A_371 = arith.constant 1792 : index
    %swap3A_372 = arith.constant 0 : index
    %swap3A_373 = vector.load %arg1[%swap3A_371, %swap3A_372] : memref<2048x1xi32, #tpu.memory_space<vmem>>, vector<128x1xi32>
    tpu.vector_store %arg1[%swap3A_371, %swap3A_372], %convert_element_type3A_370 {strides = array<i32>} : memref<2048x1xi32, #tpu.memory_space<vmem>>, vector<128x1xi32>,
    %slice3A_374 = vector.extract_strided_slice %convert_element_type3A_3 {offsets = [1920, 0], sizes = [128, 8], strides = [1, 1]} : vector<2048x8xf32> to vector<128x8xf32>
    %dot_general3A_375 = arith.constant dense<0.000000e+00> : vector<128x8xf32>
    %dot_general3A_376 = tpu.matmul %convert_element_type3A_106, %slice3A_374, %dot_general3A_375 {dimension_numbers = #tpu.dot_dimension_numbers<[1], [0], [0], [1], [0, 0, 1, 1], [], []>, transpose_lhs_hint = false} : vector<128x128xf32>, vector<128x8xf32>, vector<128x8xf32> -> vector<128x8xf32>
    %add3A_377 = vector.broadcast %add3A_76 : vector<1x8xf32> to vector<128x8xf32>
    %add3A_378 = arith.addf %dot_general3A_376, %add3A_377 : vector<128x8xf32>
    %sub3A_379 = arith.constant 1.000000e+00 : f32
    %sub3A_380 = vector.broadcast %sub3A_379 : f32 to vector<128x8xf32>
    %sub3A_381 = arith.subf %add3A_378, %sub3A_380 : vector<128x8xf32>
    %mul3A_382 = arith.mulf %sub3A_381, %slice3A_374 : vector<128x8xf32>
    %reduce_sum3A_383 = arith.constant dense<0.000000e+00> : vector<128xf32>
    %reduce_sum3A_384 = vector.multi_reduction <add>, %mul3A_382, %reduce_sum3A_383 [1] : vector<128x8xf32> to vector<128xf32>
    %broadcast_in_dim3A_385 = vector.shape_cast %reduce_sum3A_384 : vector<128xf32> to vector<128x1xf32>
    %slice3A_386 = vector.extract_strided_slice %broadcast_in_dim3A_102 {offsets = [1920, 0], sizes = [128, 1], strides = [1, 1]} : vector<2048x1xf32> to vector<128x1xf32>
    %add3A_387 = arith.addf %slice3A_386, %broadcast_in_dim3A_385 : vector<128x1xf32>
    %convert_element_type3A_388 = arith.fptosi %add3A_387 : vector<128x1xf32> to vector<128x1xi32>
    %swap3A_389 = arith.constant 1920 : index
    %swap3A_390 = arith.constant 0 : index
    %swap3A_391 = vector.load %arg1[%swap3A_389, %swap3A_390] : memref<2048x1xi32, #tpu.memory_space<vmem>>, vector<128x1xi32>
    tpu.vector_store %arg1[%swap3A_389, %swap3A_390], %convert_element_type3A_388 {strides = array<i32>} : memref<2048x1xi32, #tpu.memory_space<vmem>>, vector<128x1xi32>,
    %broadcast_in_dim3A_392 = vector.shape_cast %broadcast_in_dim3A_89 : vector<16x1xf32> to vector<16x1xf32>
    %broadcast_in_dim3A_393 = vector.broadcast %broadcast_in_dim3A_392 : vector<16x1xf32> to vector<16x32xf32>
    %iota3A_394 = tpu.iota {dimensions = array<i32: 0>} : vector<16x32xi32>
    %iota3A_395 = tpu.iota {dimensions = array<i32: 1>} : vector<16x32xi32>
    %ge3A = arith.constant 1 : i32
    %ge3A_396 = vector.broadcast %ge3A : i32 to vector<16x32xi32>
    %ge3A_397 = arith.cmpi sge, %iota3A_394, %ge3A_396 : vector<16x32xi32>
    %le3A_398 = arith.constant 8 : i32
    %le3A_399 = vector.broadcast %le3A_398 : i32 to vector<16x32xi32>
    %le3A_400 = arith.cmpi sle, %iota3A_394, %le3A_399 : vector<16x32xi32>
    %and3A = arith.andi %ge3A_397, %le3A_400 : vector<16x32xi1>
    %mul3A_401 = arith.constant 256 : i32
    %mul3A_402 = vector.broadcast %mul3A_401 : i32 to vector<16x32xi32>
    %mul3A_403 = arith.muli %iota3A_395, %mul3A_402 : vector<16x32xi32>
    %convert_element_type3A_404 = arith.sitofp %mul3A_403 : vector<16x32xi32> to vector<16x32xf32>
    %add3A_405 = arith.constant 2.560000e+02 : f32
    %add3A_406 = vector.broadcast %add3A_405 : f32 to vector<16x32xf32>
    %add3A_407 = arith.addf %convert_element_type3A_404, %add3A_406 : vector<16x32xf32>
    %le3A_408 = arith.cmpf ole, %broadcast_in_dim3A_393, %convert_element_type3A_404 : vector<16x32xf32>
    %and3A_409 = arith.andi %and3A, %le3A_408 : vector<16x32xi1>
    %jit3A_410 = arith.constant 1.000000e+00 : f32
    %jit3A_411 = arith.constant 0.000000e+00 : f32
    %broadcast_in_dim3A_412 = vector.broadcast %jit3A_410 : f32 to vector<16x32xf32>
    %broadcast_in_dim3A_413 = vector.broadcast %jit3A_411 : f32 to vector<16x32xf32>
    %select_n3A_414 = arith.select %and3A_409, %broadcast_in_dim3A_412, %broadcast_in_dim3A_413 : vector<16x32xi1>, vector<16x32xf32>
    %reduce_sum3A_415 = arith.constant dense<0.000000e+00> : vector<32xf32>
    %reduce_sum3A_416 = vector.multi_reduction <add>, %select_n3A_414, %reduce_sum3A_415 [0] : vector<16x32xf32> to vector<32xf32>
    %broadcast_in_dim3A_417 = vector.shape_cast %reduce_sum3A_416 : vector<32xf32> to vector<1x32xf32>
    %lt3A_418 = arith.cmpf olt, %broadcast_in_dim3A_393, %add3A_407 : vector<16x32xf32>
    %and3A_419 = arith.andi %and3A, %lt3A_418 : vector<16x32xi1>
    %jit3A_420 = arith.constant 1.000000e+00 : f32
    %jit3A_421 = arith.constant 0.000000e+00 : f32
    %broadcast_in_dim3A_422 = vector.broadcast %jit3A_420 : f32 to vector<16x32xf32>
    %broadcast_in_dim3A_423 = vector.broadcast %jit3A_421 : f32 to vector<16x32xf32>
    %select_n3A_424 = arith.select %and3A_419, %broadcast_in_dim3A_422, %broadcast_in_dim3A_423 : vector<16x32xi1>, vector<16x32xf32>
    %reduce_sum3A_425 = arith.constant dense<0.000000e+00> : vector<32xf32>
    %reduce_sum3A_426 = vector.multi_reduction <add>, %select_n3A_424, %reduce_sum3A_425 [0] : vector<16x32xf32> to vector<32xf32>
    %broadcast_in_dim3A_427 = vector.shape_cast %reduce_sum3A_426 : vector<32xf32> to vector<1x32xf32>
    %slice3A_428 = vector.extract_strided_slice %iota3A_395 {offsets = [0, 0], sizes = [1, 32], strides = [1, 1]} : vector<16x32xi32> to vector<1x32xi32>
    %lt3A_429 = arith.constant 8 : i32
    %lt3A_430 = vector.broadcast %lt3A_429 : i32 to vector<1x32xi32>
    %lt3A_431 = arith.cmpi slt, %slice3A_428, %lt3A_430 : vector<1x32xi32>
    %sub3A_432 = arith.subf %broadcast_in_dim3A_427, %broadcast_in_dim3A_417 : vector<1x32xf32>
    %add3A_433 = arith.constant 1.000000e+00 : f32
    %add3A_434 = vector.broadcast %add3A_433 : f32 to vector<1x32xf32>
    %add3A_435 = arith.addf %sub3A_432, %add3A_434 : vector<1x32xf32>
    %jit3A_436 = arith.constant 0.000000e+00 : f32
    %broadcast_in_dim3A_437 = vector.broadcast %jit3A_436 : f32 to vector<1x32xf32>
    %select_n3A_438 = arith.select %lt3A_431, %add3A_435, %broadcast_in_dim3A_437 : vector<1x32xi1>, vector<1x32xf32>
    %eq3A_439 = arith.cmpi eq, %iota3A_394, %iota3A_395 : vector<16x32xi32>
    %broadcast_in_dim3A_440 = vector.shape_cast %select_n3A_438 : vector<1x32xf32> to vector<1x32xf32>
    %broadcast_in_dim3A_441 = vector.broadcast %broadcast_in_dim3A_440 : vector<1x32xf32> to vector<16x32xf32>
    %jit3A_442 = arith.constant 0.000000e+00 : f32
    %broadcast_in_dim3A_443 = vector.broadcast %jit3A_442 : f32 to vector<16x32xf32>
    %select_n3A_444 = arith.select %eq3A_439, %broadcast_in_dim3A_441, %broadcast_in_dim3A_443 : vector<16x32xi1>, vector<16x32xf32>
    %reduce_sum3A_445 = arith.constant dense<0.000000e+00> : vector<16xf32>
    %reduce_sum3A_446 = vector.multi_reduction <add>, %select_n3A_444, %reduce_sum3A_445 [1] : vector<16x32xf32> to vector<16xf32>
    %broadcast_in_dim3A_447 = vector.shape_cast %reduce_sum3A_446 : vector<16xf32> to vector<16x1xf32>
    %eq3A_448 = arith.cmpi eq, %iota3A_394, %iota3A_395 : vector<16x32xi32>
    %broadcast_in_dim3A_449 = vector.shape_cast %broadcast_in_dim3A_417 : vector<1x32xf32> to vector<1x32xf32>
    %broadcast_in_dim3A_450 = vector.broadcast %broadcast_in_dim3A_449 : vector<1x32xf32> to vector<16x32xf32>
    %jit3A_451 = arith.constant 0.000000e+00 : f32
    %broadcast_in_dim3A_452 = vector.broadcast %jit3A_451 : f32 to vector<16x32xf32>
    %select_n3A_453 = arith.select %eq3A_448, %broadcast_in_dim3A_450, %broadcast_in_dim3A_452 : vector<16x32xi1>, vector<16x32xf32>
    %reduce_sum3A_454 = arith.constant dense<0.000000e+00> : vector<16xf32>
    %reduce_sum3A_455 = vector.multi_reduction <add>, %select_n3A_453, %reduce_sum3A_454 [1] : vector<16x32xf32> to vector<16xf32>
    %broadcast_in_dim3A_456 = vector.shape_cast %reduce_sum3A_455 : vector<16xf32> to vector<16x1xf32>
    %eq3A_457 = arith.cmpi eq, %iota3A_394, %iota3A_395 : vector<16x32xi32>
    %broadcast_in_dim3A_458 = vector.shape_cast %broadcast_in_dim3A_427 : vector<1x32xf32> to vector<1x32xf32>
    %broadcast_in_dim3A_459 = vector.broadcast %broadcast_in_dim3A_458 : vector<1x32xf32> to vector<16x32xf32>
    %jit3A_460 = arith.constant 0.000000e+00 : f32
    %broadcast_in_dim3A_461 = vector.broadcast %jit3A_460 : f32 to vector<16x32xf32>
    %select_n3A_462 = arith.select %eq3A_457, %broadcast_in_dim3A_459, %broadcast_in_dim3A_461 : vector<16x32xi1>, vector<16x32xf32>
    %reduce_sum3A_463 = arith.constant dense<0.000000e+00> : vector<16xf32>
    %reduce_sum3A_464 = vector.multi_reduction <add>, %select_n3A_462, %reduce_sum3A_463 [1] : vector<16x32xf32> to vector<16xf32>
    %broadcast_in_dim3A_465 = vector.shape_cast %reduce_sum3A_464 : vector<16xf32> to vector<16x1xf32>
    %broadcast_in_dim3A_466 = vector.shape_cast %broadcast_in_dim3A_447 : vector<16x1xf32> to vector<16x1xf32>
    %broadcast_in_dim3A_467 = vector.broadcast %broadcast_in_dim3A_466 : vector<16x1xf32> to vector<16x32xf32>
    %lt3A_468 = arith.cmpi slt, %iota3A_394, %iota3A_395 : vector<16x32xi32>
    %jit3A_469 = arith.constant 0.000000e+00 : f32
    %broadcast_in_dim3A_470 = vector.broadcast %jit3A_469 : f32 to vector<16x32xf32>
    %select_n3A_471 = arith.select %lt3A_468, %broadcast_in_dim3A_467, %broadcast_in_dim3A_470 : vector<16x32xi1>, vector<16x32xf32>
    %reduce_sum3A_472 = arith.constant dense<0.000000e+00> : vector<32xf32>
    %reduce_sum3A_473 = vector.multi_reduction <add>, %select_n3A_471, %reduce_sum3A_472 [0] : vector<16x32xf32> to vector<32xf32>
    %broadcast_in_dim3A_474 = vector.shape_cast %reduce_sum3A_473 : vector<32xf32> to vector<1x32xf32>
    %eq3A_475 = arith.cmpi eq, %iota3A_394, %iota3A_395 : vector<16x32xi32>
    %broadcast_in_dim3A_476 = vector.shape_cast %broadcast_in_dim3A_474 : vector<1x32xf32> to vector<1x32xf32>
    %broadcast_in_dim3A_477 = vector.broadcast %broadcast_in_dim3A_476 : vector<1x32xf32> to vector<16x32xf32>
    %jit3A_478 = arith.constant 0.000000e+00 : f32
    %broadcast_in_dim3A_479 = vector.broadcast %jit3A_478 : f32 to vector<16x32xf32>
    %select_n3A_480 = arith.select %eq3A_475, %broadcast_in_dim3A_477, %broadcast_in_dim3A_479 : vector<16x32xi1>, vector<16x32xf32>
    %reduce_sum3A_481 = arith.constant dense<0.000000e+00> : vector<16xf32>
    %reduce_sum3A_482 = vector.multi_reduction <add>, %select_n3A_480, %reduce_sum3A_481 [1] : vector<16x32xf32> to vector<16xf32>
    %broadcast_in_dim3A_483 = vector.shape_cast %reduce_sum3A_482 : vector<16xf32> to vector<16x1xf32>
    %broadcast_in_dim3A_484 = vector.shape_cast %broadcast_in_dim3A_483 : vector<16x1xf32> to vector<16x1xf32>
    %broadcast_in_dim3A_485 = vector.broadcast %broadcast_in_dim3A_484 : vector<16x1xf32> to vector<16x32xf32>
    %slice3A_486 = vector.extract_strided_slice %iota3A_395 {offsets = [0, 0], sizes = [1, 32], strides = [1, 1]} : vector<16x32xi32> to vector<1x32xi32>
    %convert_element_type3A_487 = arith.sitofp %slice3A_486 : vector<1x32xi32> to vector<1x32xf32>
    %lt3A_488 = arith.constant 8 : i32
    %lt3A_489 = vector.broadcast %lt3A_488 : i32 to vector<16x32xi32>
    %lt3A_490 = arith.cmpi slt, %iota3A_394, %lt3A_489 : vector<16x32xi32>
    %le3A_491 = vector.broadcast %convert_element_type3A_487 : vector<1x32xf32> to vector<16x32xf32>
    %le3A_492 = arith.cmpf ole, %broadcast_in_dim3A_485, %le3A_491 : vector<16x32xf32>
    %and3A_493 = arith.andi %lt3A_490, %le3A_492 : vector<16x32xi1>
    %jit3A_494 = arith.constant 1.000000e+00 : f32
    %jit3A_495 = arith.constant 0.000000e+00 : f32
    %broadcast_in_dim3A_496 = vector.broadcast %jit3A_494 : f32 to vector<16x32xf32>
    %broadcast_in_dim3A_497 = vector.broadcast %jit3A_495 : f32 to vector<16x32xf32>
    %select_n3A_498 = arith.select %and3A_493, %broadcast_in_dim3A_496, %broadcast_in_dim3A_497 : vector<16x32xi1>, vector<16x32xf32>
    %reduce_sum3A_499 = arith.constant dense<0.000000e+00> : vector<32xf32>
    %reduce_sum3A_500 = vector.multi_reduction <add>, %select_n3A_498, %reduce_sum3A_499 [0] : vector<16x32xf32> to vector<32xf32>
    %broadcast_in_dim3A_501 = vector.shape_cast %reduce_sum3A_500 : vector<32xf32> to vector<1x32xf32>
    %sub3A_502 = arith.constant 1.000000e+00 : f32
    %sub3A_503 = vector.broadcast %sub3A_502 : f32 to vector<1x32xf32>
    %sub3A_504 = arith.subf %broadcast_in_dim3A_501, %sub3A_503 : vector<1x32xf32>
    %convert_element_type3A_505 = arith.fptosi %sub3A_504 : vector<1x32xf32> to vector<1x32xi32>
    %eq3A_506 = vector.broadcast %convert_element_type3A_505 : vector<1x32xi32> to vector<16x32xi32>
    %eq3A_507 = arith.cmpi eq, %iota3A_394, %eq3A_506 : vector<16x32xi32>
    %broadcast_in_dim3A_508 = vector.shape_cast %broadcast_in_dim3A_456 : vector<16x1xf32> to vector<16x1xf32>
    %broadcast_in_dim3A_509 = vector.broadcast %broadcast_in_dim3A_508 : vector<16x1xf32> to vector<16x32xf32>
    %jit3A_510 = arith.constant 0.000000e+00 : f32
    %broadcast_in_dim3A_511 = vector.broadcast %jit3A_510 : f32 to vector<16x32xf32>
    %select_n3A_512 = arith.select %eq3A_507, %broadcast_in_dim3A_509, %broadcast_in_dim3A_511 : vector<16x32xi1>, vector<16x32xf32>
    %reduce_sum3A_513 = arith.constant dense<0.000000e+00> : vector<32xf32>
    %reduce_sum3A_514 = vector.multi_reduction <add>, %select_n3A_512, %reduce_sum3A_513 [0] : vector<16x32xf32> to vector<32xf32>
    %broadcast_in_dim3A_515 = vector.shape_cast %reduce_sum3A_514 : vector<32xf32> to vector<1x32xf32>
    %broadcast_in_dim3A_516 = vector.shape_cast %broadcast_in_dim3A_465 : vector<16x1xf32> to vector<16x1xf32>
    %broadcast_in_dim3A_517 = vector.broadcast %broadcast_in_dim3A_516 : vector<16x1xf32> to vector<16x32xf32>
    %jit3A_518 = arith.constant 0.000000e+00 : f32
    %broadcast_in_dim3A_519 = vector.broadcast %jit3A_518 : f32 to vector<16x32xf32>
    %select_n3A_520 = arith.select %eq3A_507, %broadcast_in_dim3A_517, %broadcast_in_dim3A_519 : vector<16x32xi1>, vector<16x32xf32>
    %reduce_sum3A_521 = arith.constant dense<0.000000e+00> : vector<32xf32>
    %reduce_sum3A_522 = vector.multi_reduction <add>, %select_n3A_520, %reduce_sum3A_521 [0] : vector<16x32xf32> to vector<32xf32>
    %broadcast_in_dim3A_523 = vector.shape_cast %reduce_sum3A_522 : vector<32xf32> to vector<1x32xf32>
    %jit3A_524 = arith.constant 0.000000e+00 : f32
    %broadcast_in_dim3A_525 = vector.broadcast %jit3A_524 : f32 to vector<16x32xf32>
    %select_n3A_526 = arith.select %eq3A_507, %broadcast_in_dim3A_485, %broadcast_in_dim3A_525 : vector<16x32xi1>, vector<16x32xf32>
    %reduce_sum3A_527 = arith.constant dense<0.000000e+00> : vector<32xf32>
    %reduce_sum3A_528 = vector.multi_reduction <add>, %select_n3A_526, %reduce_sum3A_527 [0] : vector<16x32xf32> to vector<32xf32>
    %broadcast_in_dim3A_529 = vector.shape_cast %reduce_sum3A_528 : vector<32xf32> to vector<1x32xf32>
    %sub3A_530 = arith.subf %convert_element_type3A_487, %broadcast_in_dim3A_529 : vector<1x32xf32>
    %add3A_531 = arith.addf %broadcast_in_dim3A_515, %sub3A_530 : vector<1x32xf32>
    %min3A = arith.minimumf %add3A_531, %broadcast_in_dim3A_523 : vector<1x32xf32>
    %slice3A_532 = vector.extract_strided_slice %broadcast_in_dim3A_467 {offsets = [0, 0], sizes = [16, 1], strides = [1, 1]} : vector<16x32xf32> to vector<16x1xf32>
    %reduce_sum3A_533 = arith.constant dense<0.000000e+00> : vector<1xf32>
    %reduce_sum3A_534 = vector.multi_reduction <add>, %slice3A_532, %reduce_sum3A_533 [0] : vector<16x1xf32> to vector<1xf32>
    %broadcast_in_dim3A_535 = vector.shape_cast %reduce_sum3A_534 : vector<1xf32> to vector<1x1xf32>
    %broadcast_in_dim3A_536 = vector.shape_cast %broadcast_in_dim3A_535 : vector<1x1xf32> to vector<1x1xf32>
    %broadcast_in_dim3A_537 = vector.broadcast %broadcast_in_dim3A_536 : vector<1x1xf32> to vector<1x32xf32>
    %lt3A_538 = arith.cmpf olt, %convert_element_type3A_487, %broadcast_in_dim3A_537 : vector<1x32xf32>
    %convert_element_type3A_539 = arith.extui %lt3A_538 : vector<1x32xi1> to vector<1x32xi32>
    %eq3A_540 = arith.cmpf oeq, %convert_element_type3A_487, %broadcast_in_dim3A_529 : vector<1x32xf32>
    %convert_element_type3A_541 = arith.extui %eq3A_540 : vector<1x32xi1> to vector<1x32xi32>
    %convert_element_type3A_542 = arith.fptosi %sub3A_504 : vector<1x32xf32> to vector<1x32xi32>
    %swap3A_543 = arith.constant 0 : index
    %swap3A_544 = arith.constant 0 : index
    %swap3A_545 = vector.load %arg3[%swap3A_543, %swap3A_544] : memref<1x32xi32, #tpu.memory_space<vmem>>, vector<1x32xi32>
    tpu.vector_store %arg3[%swap3A_543, %swap3A_544], %convert_element_type3A_542 {strides = array<i32>} : memref<1x32xi32, #tpu.memory_space<vmem>>, vector<1x32xi32>,
    %convert_element_type3A_546 = arith.fptosi %min3A : vector<1x32xf32> to vector<1x32xi32>
    %swap3A_547 = arith.constant 0 : index
    %swap3A_548 = arith.constant 0 : index
    %swap3A_549 = vector.load %arg4[%swap3A_547, %swap3A_548] : memref<1x32xi32, #tpu.memory_space<vmem>>, vector<1x32xi32>
    tpu.vector_store %arg4[%swap3A_547, %swap3A_548], %convert_element_type3A_546 {strides = array<i32>} : memref<1x32xi32, #tpu.memory_space<vmem>>, vector<1x32xi32>,
    %swap3A_550 = arith.constant 0 : index
    %swap3A_551 = arith.constant 0 : index
    %swap3A_552 = vector.load %arg5[%swap3A_550, %swap3A_551] : memref<1x32xi32, #tpu.memory_space<vmem>>, vector<1x32xi32>
    tpu.vector_store %arg5[%swap3A_550, %swap3A_551], %convert_element_type3A_539 {strides = array<i32>} : memref<1x32xi32, #tpu.memory_space<vmem>>, vector<1x32xi32>,
    %swap3A_553 = arith.constant 0 : index
    %swap3A_554 = arith.constant 0 : index
    %swap3A_555 = vector.load %arg6[%swap3A_553, %swap3A_554] : memref<1x32xi32, #tpu.memory_space<vmem>>, vector<1x32xi32>
    tpu.vector_store %arg6[%swap3A_553, %swap3A_554], %convert_element_type3A_541 {strides = array<i32>} : memref<1x32xi32, #tpu.memory_space<vmem>>, vector<1x32xi32>,
    return
  }
}

module attributes {stable_mosaic.version = 14 : i64} {
  func.func @_ffn_body(%arg0: i32, %arg1: memref<16xi32, #tpu.memory_space<smem>>, %arg2: memref<32xi32, #tpu.memory_space<smem>>, %arg3: memref<32xi32, #tpu.memory_space<smem>>, %arg4: memref<32xi32, #tpu.memory_space<smem>>, %arg5: memref<32xi32, #tpu.memory_space<smem>>, %arg6: memref<256x768xf32, #tpu.memory_space<vmem>>, %arg7: memref<1x768x1024xf32, #tpu.memory_space<vmem>>, %arg8: memref<1x1x1024xf32, #tpu.memory_space<vmem>>, %arg9: memref<1x1024x768xf32, #tpu.memory_space<vmem>>, %arg10: memref<1x1x768xf32, #tpu.memory_space<vmem>>, %arg11: memref<256x768xf32, #tpu.memory_space<vmem>>) attributes {dimension_semantics = [#tpu.dimension_semantics<arbitrary>], iteration_bounds = array<i64: 15>, scalar_prefetch = 5 : i64, scratch_operands = 0 : i64, tpu.core_type = #tpu.core_type<tc>, window_params = [{transform_indices = @transform_0, window_bounds = array<i64: 256, 768>}, {transform_indices = @transform_1, window_bounds = array<i64: 1, 768, 1024>}, {transform_indices = @transform_2, window_bounds = array<i64: 1, 1, 1024>}, {transform_indices = @transform_3, window_bounds = array<i64: 1, 1024, 768>}, {transform_indices = @transform_4, window_bounds = array<i64: 1, 1, 768>}, {transform_indices = @transform_5, window_bounds = array<i64: 256, 768>}]} {
    %get3A = arith.index_cast %arg0 : i32 to index
    %get3A_0 = memref.load %arg3[%get3A] : memref<32xi32, #tpu.memory_space<smem>>
    %get3A_1 = arith.index_cast %arg0 : i32 to index
    %get3A_2 = memref.load %arg2[%get3A_1] : memref<32xi32, #tpu.memory_space<smem>>
    %mul3A = arith.constant 256 : i32
    %mul3A_3 = arith.muli %get3A_2, %mul3A : i32
    %get3A_4 = arith.index_cast %get3A_0 : i32 to index
    %get3A_5 = memref.load %arg1[%get3A_4] : memref<16xi32, #tpu.memory_space<smem>>
    %add3A = arith.constant 1 : i32
    %add3A_6 = arith.addi %get3A_0, %add3A : i32
    %get3A_7 = arith.index_cast %add3A_6 : i32 to index
    %get3A_8 = memref.load %arg1[%get3A_7] : memref<16xi32, #tpu.memory_space<smem>>
    %get3A_9 = arith.index_cast %arg0 : i32 to index
    %get3A_10 = memref.load %arg4[%get3A_9] : memref<32xi32, #tpu.memory_space<smem>>
    %eq3A = arith.constant 1 : i32
    %eq3A_11 = arith.cmpi eq, %get3A_10, %eq3A : i32
    %convert_element_type3A = arith.extui %eq3A_11 : i1 to i32
    %cond3A = arith.constant 0 : i32
    %cond3A_12 = arith.cmpi ne, %convert_element_type3A, %cond3A : i32
    scf.if %cond3A_12 {
      %get3A_13 = arith.constant 0 : index
      %get3A_14 = arith.constant 0 : index
      %get3A_15 = vector.load %arg6[%get3A_13, %get3A_14] : memref<256x768xf32, #tpu.memory_space<vmem>>, vector<256x768xf32>
      %convert_element_type3A_16 = arith.truncf %get3A_15 : vector<256x768xf32> to vector<256x768xbf16>
      %get3A_17 = arith.constant 0 : index
      %get3A_18 = arith.constant 0 : index
      %get3A_19 = arith.constant 0 : index
      %get3A_20 = vector.load %arg7[%get3A_17, %get3A_18, %get3A_19] : memref<1x768x1024xf32, #tpu.memory_space<vmem>>, vector<1x768x1024xf32>
      %get3A_21 = vector.shape_cast %get3A_20 : vector<1x768x1024xf32> to vector<768x1024xf32>
      %convert_element_type3A_22 = arith.truncf %get3A_21 : vector<768x1024xf32> to vector<768x1024xbf16>
      %dot_general3A = arith.constant dense<0.000000e+00> : vector<256x1024xf32>
      %dot_general3A_23 = tpu.matmul %convert_element_type3A_16, %convert_element_type3A_22, %dot_general3A {dimension_numbers = #tpu.dot_dimension_numbers<[1], [0], [0], [1], [0, 0, 1, 1], [], []>, transpose_lhs_hint = false} : vector<256x768xbf16>, vector<768x1024xbf16>, vector<256x1024xf32> -> vector<256x1024xf32>
      %get3A_24 = arith.constant 0 : index
      %get3A_25 = arith.constant 0 : index
      %get3A_26 = arith.constant 0 : index
      %get3A_27 = vector.load %arg8[%get3A_24, %get3A_25, %get3A_26] : memref<1x1x1024xf32, #tpu.memory_space<vmem>>, vector<1x1x1024xf32>
      %get3A_28 = vector.shape_cast %get3A_27 : vector<1x1x1024xf32> to vector<1x1024xf32>
      %add3A_29 = vector.broadcast %get3A_28 : vector<1x1024xf32> to vector<256x1024xf32>
      %add3A_30 = arith.addf %dot_general3A_23, %add3A_29 : vector<256x1024xf32>
      %mul3A_31 = arith.constant 5.000000e-01 : f32
      %mul3A_32 = vector.broadcast %mul3A_31 : f32 to vector<256x1024xf32>
      %mul3A_33 = arith.mulf %add3A_30, %mul3A_32 : vector<256x1024xf32>
      %mul3A_34 = arith.constant 0.707106769 : f32
      %mul3A_35 = vector.broadcast %mul3A_34 : f32 to vector<256x1024xf32>
      %mul3A_36 = arith.mulf %add3A_30, %mul3A_35 : vector<256x1024xf32>
      %erf3A = math.erf %mul3A_36 : vector<256x1024xf32>
      %add3A_37 = arith.constant 1.000000e+00 : f32
      %add3A_38 = vector.broadcast %add3A_37 : f32 to vector<256x1024xf32>
      %add3A_39 = arith.addf %add3A_38, %erf3A : vector<256x1024xf32>
      %mul3A_40 = arith.mulf %mul3A_33, %add3A_39 : vector<256x1024xf32>
      %convert_element_type3A_41 = arith.truncf %mul3A_40 : vector<256x1024xf32> to vector<256x1024xbf16>
      %get3A_42 = arith.constant 0 : index
      %get3A_43 = arith.constant 0 : index
      %get3A_44 = arith.constant 0 : index
      %get3A_45 = vector.load %arg9[%get3A_42, %get3A_43, %get3A_44] : memref<1x1024x768xf32, #tpu.memory_space<vmem>>, vector<1x1024x768xf32>
      %get3A_46 = vector.shape_cast %get3A_45 : vector<1x1024x768xf32> to vector<1024x768xf32>
      %convert_element_type3A_47 = arith.truncf %get3A_46 : vector<1024x768xf32> to vector<1024x768xbf16>
      %dot_general3A_48 = arith.constant dense<0.000000e+00> : vector<256x768xf32>
      %dot_general3A_49 = tpu.matmul %convert_element_type3A_41, %convert_element_type3A_47, %dot_general3A_48 {dimension_numbers = #tpu.dot_dimension_numbers<[1], [0], [0], [1], [0, 0, 1, 1], [], []>, transpose_lhs_hint = false} : vector<256x1024xbf16>, vector<1024x768xbf16>, vector<256x768xf32> -> vector<256x768xf32>
      %get3A_50 = arith.constant 0 : index
      %get3A_51 = arith.constant 0 : index
      %get3A_52 = arith.constant 0 : index
      %get3A_53 = vector.load %arg10[%get3A_50, %get3A_51, %get3A_52] : memref<1x1x768xf32, #tpu.memory_space<vmem>>, vector<1x1x768xf32>
      %get3A_54 = vector.shape_cast %get3A_53 : vector<1x1x768xf32> to vector<1x768xf32>
      %add3A_55 = vector.broadcast %get3A_54 : vector<1x768xf32> to vector<256x768xf32>
      %add3A_56 = arith.addf %dot_general3A_49, %add3A_55 : vector<256x768xf32>
      %iota3A = tpu.iota {dimensions = array<i32: 0>} : vector<256x1xi32>
      %add3A_57 = vector.broadcast %mul3A_3 : i32 to vector<256x1xi32>
      %add3A_58 = arith.addi %add3A_57, %iota3A : vector<256x1xi32>
      %ge3A = vector.broadcast %get3A_5 : i32 to vector<256x1xi32>
      %ge3A_59 = arith.cmpi sge, %add3A_58, %ge3A : vector<256x1xi32>
      %lt3A = vector.broadcast %get3A_8 : i32 to vector<256x1xi32>
      %lt3A_60 = arith.cmpi slt, %add3A_58, %lt3A : vector<256x1xi32>
      %and3A = arith.andi %ge3A_59, %lt3A_60 : vector<256x1xi1>
      %jit3A = arith.constant 0.000000e+00 : f32
      %broadcast_in_dim3A = vector.shape_cast %and3A : vector<256x1xi1> to vector<256x1xi1>
      %broadcast_in_dim3A_61 = vector.broadcast %broadcast_in_dim3A : vector<256x1xi1> to vector<256x768xi1>
      %broadcast_in_dim3A_62 = vector.broadcast %jit3A : f32 to vector<256x768xf32>
      %select_n3A = arith.select %broadcast_in_dim3A_61, %add3A_56, %broadcast_in_dim3A_62 : vector<256x768xi1>, vector<256x768xf32>
      %get3A_63 = arith.index_cast %arg0 : i32 to index
      %get3A_64 = memref.load %arg5[%get3A_63] : memref<32xi32, #tpu.memory_space<smem>>
      %eq3A_65 = arith.constant 1 : i32
      %eq3A_66 = arith.cmpi eq, %get3A_64, %eq3A_65 : i32
      %convert_element_type3A_67 = arith.extui %eq3A_66 : i1 to i32
      %cond3A_68 = arith.constant 0 : i32
      %cond3A_69 = arith.cmpi ne, %convert_element_type3A_67, %cond3A_68 : i32
      scf.if %cond3A_69 {
        %swap3A = arith.constant 0 : index
        %swap3A_77 = arith.constant 0 : index
        %swap3A_78 = vector.load %arg11[%swap3A, %swap3A_77] : memref<256x768xf32, #tpu.memory_space<vmem>>, vector<256x768xf32>
        tpu.vector_store %arg11[%swap3A, %swap3A_77], %select_n3A {strides = array<i32>} : memref<256x768xf32, #tpu.memory_space<vmem>>, vector<256x768xf32>,
      } else {
      }
      %get3A_70 = arith.index_cast %arg0 : i32 to index
      %get3A_71 = memref.load %arg5[%get3A_70] : memref<32xi32, #tpu.memory_space<smem>>
      %eq3A_72 = arith.constant 0 : i32
      %eq3A_73 = arith.cmpi eq, %get3A_71, %eq3A_72 : i32
      %convert_element_type3A_74 = arith.extui %eq3A_73 : i1 to i32
      %cond3A_75 = arith.constant 0 : i32
      %cond3A_76 = arith.cmpi ne, %convert_element_type3A_74, %cond3A_75 : i32
      scf.if %cond3A_76 {
        %get3A_77 = arith.constant 0 : index
        %get3A_78 = arith.constant 0 : index
        %get3A_79 = vector.load %arg11[%get3A_77, %get3A_78] : memref<256x768xf32, #tpu.memory_space<vmem>>, vector<256x768xf32>
        %add3A_80 = arith.addf %get3A_79, %select_n3A : vector<256x768xf32>
        %swap3A = arith.constant 0 : index
        %swap3A_81 = arith.constant 0 : index
        %swap3A_82 = vector.load %arg11[%swap3A, %swap3A_81] : memref<256x768xf32, #tpu.memory_space<vmem>>, vector<256x768xf32>
        tpu.vector_store %arg11[%swap3A, %swap3A_81], %add3A_80 {strides = array<i32>} : memref<256x768xf32, #tpu.memory_space<vmem>>, vector<256x768xf32>,
      } else {
      }
    } else {
    }
    return
  }
  func.func @transform_0(%arg0: i32, %arg1: memref<16xi32, #tpu.memory_space<smem>>, %arg2: memref<32xi32, #tpu.memory_space<smem>>, %arg3: memref<32xi32, #tpu.memory_space<smem>>, %arg4: memref<32xi32, #tpu.memory_space<smem>>, %arg5: memref<32xi32, #tpu.memory_space<smem>>) -> (i32, i32) {
    %get3A = arith.index_cast %arg0 : i32 to index
    %get3A_0 = memref.load %arg2[%get3A] : memref<32xi32, #tpu.memory_space<smem>>
    %c0_i32 = arith.constant 0 : i32
    %c0_i32_1 = arith.constant 0 : i32
    return %get3A_0, %c0_i32 : i32, i32
  }
  func.func @transform_1(%arg0: i32, %arg1: memref<16xi32, #tpu.memory_space<smem>>, %arg2: memref<32xi32, #tpu.memory_space<smem>>, %arg3: memref<32xi32, #tpu.memory_space<smem>>, %arg4: memref<32xi32, #tpu.memory_space<smem>>, %arg5: memref<32xi32, #tpu.memory_space<smem>>) -> (i32, i32, i32) {
    %get3A = arith.index_cast %arg0 : i32 to index
    %get3A_0 = memref.load %arg3[%get3A] : memref<32xi32, #tpu.memory_space<smem>>
    %c0_i32 = arith.constant 0 : i32
    %c0_i32_1 = arith.constant 0 : i32
    %c0_i32_2 = arith.constant 0 : i32
    return %get3A_0, %c0_i32, %c0_i32_1 : i32, i32, i32
  }
  func.func @transform_2(%arg0: i32, %arg1: memref<16xi32, #tpu.memory_space<smem>>, %arg2: memref<32xi32, #tpu.memory_space<smem>>, %arg3: memref<32xi32, #tpu.memory_space<smem>>, %arg4: memref<32xi32, #tpu.memory_space<smem>>, %arg5: memref<32xi32, #tpu.memory_space<smem>>) -> (i32, i32, i32) {
    %get3A = arith.index_cast %arg0 : i32 to index
    %get3A_0 = memref.load %arg3[%get3A] : memref<32xi32, #tpu.memory_space<smem>>
    %c0_i32 = arith.constant 0 : i32
    %c0_i32_1 = arith.constant 0 : i32
    %c0_i32_2 = arith.constant 0 : i32
    return %get3A_0, %c0_i32, %c0_i32_1 : i32, i32, i32
  }
  func.func @transform_3(%arg0: i32, %arg1: memref<16xi32, #tpu.memory_space<smem>>, %arg2: memref<32xi32, #tpu.memory_space<smem>>, %arg3: memref<32xi32, #tpu.memory_space<smem>>, %arg4: memref<32xi32, #tpu.memory_space<smem>>, %arg5: memref<32xi32, #tpu.memory_space<smem>>) -> (i32, i32, i32) {
    %get3A = arith.index_cast %arg0 : i32 to index
    %get3A_0 = memref.load %arg3[%get3A] : memref<32xi32, #tpu.memory_space<smem>>
    %c0_i32 = arith.constant 0 : i32
    %c0_i32_1 = arith.constant 0 : i32
    %c0_i32_2 = arith.constant 0 : i32
    return %get3A_0, %c0_i32, %c0_i32_1 : i32, i32, i32
  }
  func.func @transform_4(%arg0: i32, %arg1: memref<16xi32, #tpu.memory_space<smem>>, %arg2: memref<32xi32, #tpu.memory_space<smem>>, %arg3: memref<32xi32, #tpu.memory_space<smem>>, %arg4: memref<32xi32, #tpu.memory_space<smem>>, %arg5: memref<32xi32, #tpu.memory_space<smem>>) -> (i32, i32, i32) {
    %get3A = arith.index_cast %arg0 : i32 to index
    %get3A_0 = memref.load %arg3[%get3A] : memref<32xi32, #tpu.memory_space<smem>>
    %c0_i32 = arith.constant 0 : i32
    %c0_i32_1 = arith.constant 0 : i32
    %c0_i32_2 = arith.constant 0 : i32
    return %get3A_0, %c0_i32, %c0_i32_1 : i32, i32, i32
  }
  func.func @transform_5(%arg0: i32, %arg1: memref<16xi32, #tpu.memory_space<smem>>, %arg2: memref<32xi32, #tpu.memory_space<smem>>, %arg3: memref<32xi32, #tpu.memory_space<smem>>, %arg4: memref<32xi32, #tpu.memory_space<smem>>, %arg5: memref<32xi32, #tpu.memory_space<smem>>) -> (i32, i32) {
    %get3A = arith.index_cast %arg0 : i32 to index
    %get3A_0 = memref.load %arg2[%get3A] : memref<32xi32, #tpu.memory_space<smem>>
    %c0_i32 = arith.constant 0 : i32
    %c0_i32_1 = arith.constant 0 : i32
    return %get3A_0, %c0_i32 : i32, i32
  }
}

</mosaic_0001>

<sc_bundles>
// kernel: kernel.10.cloned.1.call-start
scs
__scs_entry_jumppad:
0x0: {  	(pc) =	sbr.rel $0x88, $3  }
0x1: {  	(tag) =	ssettag $0x0;
	lr =	simm.s32 $0x1  }
0x2: {  	[smem:$0x3F98] =	sst lr;
	_ =	strace $0xD0000000  }
0x3: {  	_ = 	snop  }
0x4: {  	_ = 	snop  }
0x5: {  	_ = 	snop  }
0x6: {  	_ = 	snop  }
0x7: {  	_ = 	snop  }
__scs_overlays_trampoline_lowered:
0x8: {  	[smem:$0x3FA7] =	sst s0  }
0x9: {  	[smem:$0x3FA8] =	sst s1  }
0xa: {  	[smem:$0x3FA9] =	sst s2  }
0xb: {  	[smem:$0x3FAA] =	sst s3  }
0xc: {  	[smem:$0x3FAB] =	sst s4  }
0xd: {  	[smem:$0x3FAC] =	sst s5  }
0xe: {  	[smem:$0x3FAD] =	sst s6  }
0xf: {  	[smem:$0x3FAE] =	sst s7  }
0x10: {  	[smem:$0x3FAF] =	sst s8  }
0x11: {  	[smem:$0x3FB0] =	sst s9;
	s0 =	simm.s32 @!p0 $0x0  }
0x12: {  	s1 =	sld [smem:$0x3F96];
	s0 =	simm.s32 @p0 $0x1  }
0x13: {  	[smem:$0x3FB1] =	sst s0;
	s0 =	simm.s32 @!p1 $0x0  }
0x14: {  	s2 =	sld [smem:$0x3F95];
	s0 =	simm.s32 @p1 $0x1  }
0x15: {  	[smem:$0x3FB2] =	sst s0;
	s0 =	simm.s32 @!p2 $0x0  }
0x16: {  	s3 =	sld [smem:$0x3FDB];
	s0 =	simm.s32 @p2 $0x1  }
0x17: {  	s4 =	simm.s32 $0x1BF5;
	[smem:$0x3FB4] =	sst s0  }
0x18: {  	s0 =	sld [smem:$0x3F97];
	_ =	swait.ge [sflag:s4], $0x0  }
0x19: {  	s7 =	sld [smem:$0x3F98]  }
0x1a: {  	s8 =	sadd.s32 $0xFFFFE003, lr  }
0x1b: {  	s9 =	sadd.s32 $0xFFFFFEF7, lr;
	s5 =	simm.s32 $0xFFFFFFFF;
	p2 =	slt.u32 s8, $0xFFFFF086  }
0x1c: {  	p1 =	slt.u32 s9, $0xF7A;
	s5 =	simm.s32 @!p2 $0x0  }
0x1d: {  	s5 =	simm.s32 @p1 $0x1;
	p0 =	seq.s32 s7, s2  }
0x1e: {  	s7 =	smul.u32 @!p0 $0xF7A, s2;
	p2 =	seq.s32 @!p0 s5, $0x0  }
0x1f: {  	s9 =	smul.u32 $0xF7A, s1;
	s8 =	simm.s32 @!p0 $0x1BF5;
	p2 =	por !p2, p0  }
0x20: {  	[sflag:s8] =	ssyncset.s32 @!p0 $0xFFFFF086;
	s6 =	sadd.s32 @!p0 s3, s7;
	s7 =	simm.s32 @!p0 $0x108  }
0x21: {  	s3 =	sadd.s32 s3, s9;
	s6 =	sadd.s32 @!p0 $0x88, s6;
	s7 =	simm.s32 @p2 $0x1082  }
0x22: {  	[simem:s7], [sflag:s8] =	dma.local @!p0 [hbm:s6], $0xF7A  }
0x23: {  	s9 =	sor.u32 $0xD0000000, s2;
	s6 =	simm.s32 $0x108;
	_ =	swait.ge @!p0 [sflag:s8], $0x0  }
0x24: {  	s3 =	sadd.s32 $0x88, s3;
	s6 =	simm.s32 @!p1 $0x1082;
	[sflag:s4] =	ssyncset.s32 $0xFFFFF086  }
0x25: {  	[simem:s6], [sflag:s4] =	dma.local [hbm:s3], $0xF7A  }
0x26: {  	[smem:$0x3F98] =	sst s1;
	(tag) =	ssettag s2;
	_ =	strace s9  }
0x27: {  	s1 =	sld [smem:$0x3FA8]  }
0x28: {  	s2 =	sld [smem:$0x3FA9]  }
0x29: {  	s4 =	sld [smem:$0x3FAB]  }
0x2a: {  	p0 =	seq.s32 s5, $0x0;
	s5 =	sld [smem:$0x3FAC]  }
0x2b: {  	s6 =	sld [smem:$0x3FAD]  }
0x2c: {  	s7 =	sld [smem:$0x3FAE]  }
0x2d: {  	s3 =	simm.s32 $0x108;
	s8 =	sld [smem:$0x3FAF]  }
0x2e: {  	s3 =	simm.s32 @!p0 $0x1082;
	s9 =	sld [smem:$0x3FB0]  }
0x2f: {  	lr =	sadd.s32 s0, s3;
	s0 =	sld [smem:$0x3FA7]  }
0x30: {  	s3 =	sld [smem:$0x3FAA]  }
0x31: {  	[smem:$0x3FB3] =	sst s10  }
0x32: {  	s10 =	sld [smem:$0x3FB1];
	_ =	sdelay $0x3  }
0x33: {  	p0 =	seq.s32 s10, $0x1;
	s10 =	sld [smem:$0x3FB3];
	_ =	sdelay $0x3  }
0x34: {  	[smem:$0x3FB3] =	sst s10  }
0x35: {  	s10 =	sld [smem:$0x3FB2];
	_ =	sdelay $0x3  }
0x36: {  	p1 =	seq.s32 s10, $0x1;
	s10 =	sld [smem:$0x3FB3];
	_ =	sdelay $0x3  }
0x37: {  	[smem:$0x3FB3] =	sst s10  }
0x38: {  	s10 =	sld [smem:$0x3FB4]  }
0x39: {  	_ = 	snop;
	(pc) =	sbr.ind lr, $3  }
0x3a: {  	_ = 	snop  }
0x3b: {  	_ = 	snop  }
0x3c: {  	p2 =	seq.s32 s10, $0x1;
	s10 =	sld [smem:$0x3FB3]  }
0x3d: {  	_ =	shalt  }
0x3e: {  	_ =	shalt  }
0x3f: {  	_ =	shalt  }
0x40: {  	_ =	shalt  }
0x41: {  	_ =	shalt  }
0x42: {  	_ =	shalt  }
0x43: {  	_ =	shalt  }
0x44: {  	_ =	shalt  }
0x45: {  	_ =	shalt  }
0x46: {  	_ =	shalt  }
0x47: {  	_ =	shalt  }
0x48: {  	_ =	shalt  }
0x49: {  	_ =	shalt  }
0x4a: {  	_ =	shalt  }
0x4b: {  	_ =	shalt  }
0x4c: {  	_ =	shalt  }
0x4d: {  	_ =	shalt  }
0x4e: {  	_ =	shalt  }
0x4f: {  	_ =	shalt  }
0x50: {  	_ =	shalt  }
0x51: {  	_ =	shalt  }
0x52: {  	_ =	shalt  }
0x53: {  	_ =	shalt  }
0x54: {  	_ =	shalt  }
0x55: {  	_ =	shalt  }
0x56: {  	_ =	shalt  }
0x57: {  	_ =	shalt  }
0x58: {  	_ =	shalt  }
0x59: {  	_ =	shalt  }
0x5a: {  	_ =	shalt  }
0x5b: {  	_ =	shalt  }
0x5c: {  	_ =	shalt  }
0x5d: {  	_ =	shalt  }
0x5e: {  	_ =	shalt  }
0x5f: {  	_ =	shalt  }
0x60: {  	_ =	shalt  }
0x61: {  	_ =	shalt  }
0x62: {  	_ =	shalt  }
0x63: {  	_ =	shalt  }
0x64: {  	_ =	shalt  }
0x65: {  	_ =	shalt  }
0x66: {  	_ =	shalt  }
0x67: {  	_ =	shalt  }
0x68: {  	_ =	shalt  }
0x69: {  	_ =	shalt  }
0x6a: {  	_ =	shalt  }
0x6b: {  	_ =	shalt  }
0x6c: {  	_ =	shalt  }
0x6d: {  	_ =	shalt  }
0x6e: {  	_ =	shalt  }
0x6f: {  	_ =	shalt  }
0x70: {  	_ =	shalt  }
0x71: {  	_ =	shalt  }
0x72: {  	_ =	shalt  }
0x73: {  	_ =	shalt  }
0x74: {  	_ =	shalt  }
0x75: {  	_ =	shalt  }
0x76: {  	_ =	shalt  }
0x77: {  	_ =	shalt  }
0x78: {  	_ =	shalt  }
0x79: {  	_ =	shalt  }
0x7a: {  	_ =	shalt  }
0x7b: {  	_ =	shalt  }
0x7c: {  	_ =	shalt  }
0x7d: {  	_ =	shalt  }
0x7e: {  	_ =	shalt  }
0x7f: {  	_ =	shalt  }
0x80: {  	_ =	shalt  }
0x81: {  	_ =	shalt  }
0x82: {  	_ =	shalt  }
0x83: {  	_ =	shalt  }
0x84: {  	_ =	shalt  }
0x85: {  	_ =	shalt  }
0x86: {  	_ =	shalt  }
0x87: {  	_ =	shalt  }
.Lfunc_end0:
.L_simem_size_0:
called_computation.1_lowered:
.L_overlay_start_0:
0x88: {  	s2 =	sld [smem:$0x3FD9]  }
0x89: {  	s3 =	sld [smem:$0x3FFE];
	_ =	sdelay $0x1  }
0x8a: {  	s1 =	srdreg.scid  }
0x8b: {  	s0 =	sand.u32 $0x1, s1  }
0x8c: {  	s14 =	sshll.u32 s0, $0xA;
	s2 =	sadd.s32 s3, s2  }
0x8d: {  	s2 =	sadd.s32 s2, s14  }
0x8e: {  	[smem:$0x3FBF] =	sst s2  }
0x8f: {  	_ = 	snop  }
0x90: {  	s2 =	sld [smem:$0x3FD0];
	_ =	sdelay $0x2  }
0x91: {  	s15 =	simm.s32 $0xA;
	s4 =	simm.s32 $0x10  }
0x92: {  	[smem:s4], [sflag:s15] =	dma.local [hbm:s2], $0x1  }
0x93: {  	_ =	swait.eq [sflag:s15], $0x1  }
0x94: {  	[sflag:s15] =	ssyncset.done $0x0  }
0x95: {  	[sflag:s15] =	ssyncadd.s32 $0xFFFFFFFF  }
0x96: {  	s16 =	sld [smem:$0x10];
	(tm) =	ssettm $0x1  }
0x97: {  	s17 =	sld [smem:$0x3FFB];
	_ =	sdelay $0x3  }
0x98: {  	_ =	strace s17  }
0x99: {  	s3 =	sld [smem:$0x3FFC];
	_ =	sdelay $0x3  }
0x9a: {  	_ =	strace s3  }
0x9b: {  	s3 =	sld [smem:$0x3FFD];
	_ =	sdelay $0x3  }
0x9c: {  	_ =	strace s3  }
0x9d: {  	_ =	strace $0x8FFFFFFF  }
0x9e: {  	s18 =	sld [smem:$0x3FDB];
	_ =	sdelay $0x1  }
0x9f: {  	s19 =	simm.s32 $_scs_section_size  }
0xa0: {  	s5 =	simm.s32 $_size__tile_overlayer_lowered;
	s6 =	simm.s32 $_tile_overlayer_lowered  }
0xa1: {  	s22 =	simm.s32 $0x1BFF;
	s21 =	sshll.u32 s6, $0x1;
	s3 =	sadd.s32 s19, s18  }
0xa2: {  	s7 =	simm.s32 $0x0;
	s20 =	sshll.u32 s5, $0x1;
	s5 =	sadd.s32 s21, s3  }
0xa3: {  	[timem:s7], [sflag:s22] =	dma.local [hbm:s5], s20  }
0xa4: {  	_ =	swait.ge [sflag:s22], s20  }
0xa5: {  	s4 =	ssub.s32 $0x0, s20;
	[sflag:s22] =	ssyncset.done $0x0  }
0xa6: {  	[sflag:s22] =	ssyncadd.s32 s4;
	_ =	sdelay $0x1  }
0xa7: {  	s23 =	simm.s32 $0x1B8B  }
0xa8: {  	_ =	swait.ge [sflag:s23], $0x1  }
0xa9: {  	[sflag:s23] =	ssyncset.done $0x0  }
0xaa: {  	s25 =	simm.s32 $0x1B8E;
	s24 =	sld [smem:$0x3FFE];
	[sflag:s23] =	ssyncadd.s32 $0xFFFFFFFF  }
0xab: {  	s26 =	simm.s32 $execute0_lowered;
	[smem:$0x3FD2] =	sst s25  }
0xac: {  	s5 =	sshll.u32 s26, $0x1;
	_ =	strace $0x80000049;
	[dreg:$0x1] =	wrdreg $0xFFFFFFFF  }
0xad: {  	s28 =	simm.s32 $_size_execute0_lowered;
	s3 =	sadd.s32 s3, s5;
	[dreg:$0x0] =	wrdreg $0x0  }
0xae: {  	s5 =	sshll.u32 s28, $0x1;
	[dreg:$0x2] =	wrdreg s3  }
0xaf: {  	[dreg:$0x3] =	wrdreg s5  }
0xb0: {  	[dreg:$0x4] =	wrdreg $0xC0  }
0xb1: {  	_ =	task [dreg:s7], $0x5FFFF  }
0xb2: {  	[dreg:$0x1] =	wrdreg $0xFFFFFFFF  }
0xb3: {  	[dreg:$0x0] =	wrdreg $0x60  }
0xb4: {  	[dreg:$0x2] =	wrdreg s24  }
0xb5: {  	[dreg:$0x3] =	wrdreg s16  }
0xb6: {  	[dreg:$0x4] =	wrdreg $0x9  }
0xb7: {  	_ =	task.clear_ibuf [dreg:s7], $0x5FFFF;
	_ =	strace $0x90000049  }
0xb8: {  	s29 =	simm.s32 $0x9;
	_ =	strace $0x8000004B  }
0xb9: {  	_ =	swait.ge [sflag:s29], $0x1  }
0xba: {  	[sflag:s29] =	ssyncadd.s32 $0xFFFFFFFF  }
0xbb: {  	_ =	strace $0x9000004B  }
0xbc: {  	_ =	sfence  }
0xbd: {  	s30 =	sld [smem:$0x0];
	_ =	sdelay $0x2  }
0xbe: {  	s31 =	sshll.u32 s1, $0xD;
	s1 =	sshrl.u32 s1, $0x2  }
0xbf: {  	s3 =	sand.u32 $0x4000, s31;
	s1 =	sadd.s32 s1, s30  }
0xc0: {  	s0 =	sor.u32 s3, s0;
	s1 =	sshll.u32 s1, $0x11  }
0xc1: {  	s0 =	sor.u32 s1, s0  }
0xc2: {  	s0 =	sadd.s32 $0x8F2B, s0  }
0xc3: {  	[sflag:s0] =	ssyncadd.remote.s32 $0x1  }
0xc4: {  	_ =	sfence.sel $0xFFFF  }
0xc5: {  	[dreg:$0x0] =	wrdreg $0xFFFFFFFF;
	(pc) =	sbr.abs _section_cstart, $3  }
0xc6: {  	[dreg:$0x1] =	wrdreg $0xFFFFFFFF  }
0xc7: {  	_ =	task.clear_ibuf [dreg:s7], $0x2FFFF;
	_ =	strace $0x9FFFFFFF  }
0xc8: {  	(tm) =	ssettm $0x7FFFFFFF  }
0xc9: {  	_ =	shalt  }
tec
execute0_lowered:
.L_overlay_start_1:
0x0: {  	(tag) =	ssettag $0x1  }
0x1: {  	s0 =	rddreg [dreg:$0x0]  }
0x2: {  	s5 =	rddreg [dreg:$0x1]  }
0x3: {  	s2 =	srdreg.scid;
	s1 =	stileid.u32;
	s26 =	simm.s32 $0x880  }
0x4: {  	s9 =	simm.s32 $0x1080;
	s10 =	simm.s32 $0x1880;
	s11 =	simm.s32 $0x2080  }
0x5: {  	s12 =	simm.s32 $0x2880;
	s13 =	simm.s32 $0x3080;
	s14 =	simm.s32 $0x3880  }
0x6: {  	s15 =	simm.s32 $0x4080;
	s16 =	simm.s32 $0x4880;
	s17 =	simm.s32 $0x5080  }
0x7: {  	s18 =	simm.s32 $0x5880;
	s19 =	simm.s32 $0x6080;
	s20 =	simm.s32 $0x6880  }
0x8: {  	s21 =	simm.s32 $0x7080;
	s22 =	simm.s32 $0x7880;
	s23 =	simm.s32 $0x8080  }
0x9: {  	s28 =	simm.s32 $0xA080;
	s29 =	simm.s32 $0xA880;
	s30 =	simm.s32 $0xB080  }
0xa: {  	s31 =	simm.s32 $0xB880;
	s3 =	sand.u32 $0x1, s2;
	s2 =	simm.s32 $0x0  }
0xb: {  	s4 =	sshll.u32 s1, $0x4;
	s6 =	sshll.u32 s3, $0x3;
	[smem:$0x7FF] =	sst s2  }
0xc: {  	s7 =	ssub.s32 $0x2, s3;
	s3 =	sadd.s32 $0x200, s0;
	s4 =	sor.u32 s6, s4  }
0xd: {  	_ =	strace $0x8000004A;
	s24 =	sshrl.u32 s7, $0x1;
	[dreg:$0x5] =	wrdreg s26  }
0xe: {  	s26 =	simm.s32 $0x9880;
	s8 =	smul.u32 $0x300, s4;
	s6 =	ssub.s32 s7, s24  }
0xf: {  	s4 =	sadd.s32 s0, s4;
	s7 =	simm.s32 $0x2;
	s24 =	simm.s32 $0x8880  }
0x10: {  	v2 =	vlaneseq.u32;
	[dreg:$0x3] =	wrdreg s4;
	s4 =	sadd.s32 $0x300, s0;
	s6 =	smax.u32 s6, $0x1  }
0x11: {  	vm0 =	vmmov $0xffff;
	v1 =	vshrl.u32 v2, $0x3;
	s25 =	sadd.s32 s5, s8;
	s5 =	sadd.s32 $0x400, s0;
	s8 =	simm.s32 $0x80  }
0x12: {  	v0 =	vand.u32 $0x7, v2;
	v2 =	vor.u32 $0x8, v2;
	v1 =	vmul.u32 $0x8, v1;
	s0 =	simm.s32 $0x1;
	[dreg:$0x4] =	wrdreg s25;
	s25 =	simm.s32 $0x9080  }
.LBB2_1:
0x13: {  	s1 =	rddreg [dreg:$0x3]  }
0x14: {  	[tilespmem:s2], [sflag:$0x2] =	stream.linear.gather [hbm4b:s1+s2], $0x40, $0x38;
	[tilespmem:$0xC080] =	vst v63  }
0x15: {  	_ =	swait.ge [sflag:s7], $0x40  }
0x16: {  	[sflag:s7] =	ssyncset.done $0x0  }
0x17: {  	[sflag:s7] =	ssyncadd.s32 $0xFFFFFFC0  }
0x18: {  	v3 =	vld [tilespmem:$0x0];
	_ =	sdelay $0x4  }
0x19: {  	v4 =	vshrl.u32 v3, $0x3  }
0x1a: {  	v4 =	vmul.u32 $0x30, v4  }
0x1b: {  	v3 =	vand.u32 $0x7, v3  }
0x1c: {  	v3 =	vor.u32 v3, v4  }
0x1d: {  	v4 =	vperm.xlane v3, v0;
	_ =	sdelay $0x1  }
0x1e: {  	v4 =	vadd.s32 v1, v4;
	_ =	sdelay $0x3  }
0x1f: {  	v3 =	vperm.xlane v3, v2  }
0x20: {  	[tilespmem:s8], [sflag:$0x1] =	stream.indirect_vreg.gather [hbm4b:s3+s2], $0x80, v4, vm0, $0xb8;
	[tilespmem:$0xC080] =	vst v63  }
0x21: {  	s1 =	rddreg [dreg:$0x5];
	v3 =	vadd.s32 v1, v3  }
0x22: {  	[tilespmem:s1], [sflag:$0x1] =	stream.indirect_vreg.gather [hbm4b:s4+s2], $0x80, v4, vm0, $0xb8;
	[tilespmem:$0xC080] =	vst v63  }
0x23: {  	_ = 	snop  }
0x24: {  	[tilespmem:s9], [sflag:$0x1] =	stream.indirect_vreg.gather [hbm4b:s5+s2], $0x80, v4, vm0, $0xb8;
	[tilespmem:$0xC080] =	vst v63  }
0x25: {  	_ = 	snop  }
0x26: {  	[tilespmem:s10], [sflag:$0x1] =	stream.indirect_vreg.gather [hbm4b:s3+s2], $0x80, v3, vm0, $0xb8;
	[tilespmem:$0xC080] =	vst v63  }
0x27: {  	_ = 	snop  }
0x28: {  	[tilespmem:s11], [sflag:$0x1] =	stream.indirect_vreg.gather [hbm4b:s4+s2], $0x80, v3, vm0, $0xb8;
	[tilespmem:$0xC080] =	vst v63  }
0x29: {  	_ = 	snop  }
0x2a: {  	[tilespmem:s12], [sflag:$0x1] =	stream.indirect_vreg.gather [hbm4b:s5+s2], $0x80, v3, vm0, $0xb8;
	[tilespmem:$0xC080] =	vst v63  }
0x2b: {  	v3 =	vld [tilespmem:$0x10];
	_ =	sdelay $0x4  }
0x2c: {  	v61 =	vshrl.u32 v3, $0x3  }
0x2d: {  	v4 =	vmul.u32 $0x30, v61  }
0x2e: {  	v3 =	vand.u32 $0x7, v3  }
0x2f: {  	v3 =	vor.u32 v3, v4  }
0x30: {  	v4 =	vperm.xlane v3, v0;
	_ =	sdelay $0x1  }
0x31: {  	v4 =	vadd.s32 v1, v4;
	_ =	sdelay $0x3  }
0x32: {  	v3 =	vperm.xlane v3, v2  }
0x33: {  	[tilespmem:s13], [sflag:$0x1] =	stream.indirect_vreg.gather [hbm4b:s3+s2], $0x80, v4, vm0, $0xb8;
	[tilespmem:$0xC080] =	vst v63  }
0x34: {  	v3 =	vadd.s32 v1, v3  }
0x35: {  	[tilespmem:s14], [sflag:$0x1] =	stream.indirect_vreg.gather [hbm4b:s4+s2], $0x80, v4, vm0, $0xb8;
	[tilespmem:$0xC080] =	vst v63  }
0x36: {  	_ = 	snop  }
0x37: {  	[tilespmem:s15], [sflag:$0x1] =	stream.indirect_vreg.gather [hbm4b:s5+s2], $0x80, v4, vm0, $0xb8;
	[tilespmem:$0xC080] =	vst v63  }
0x38: {  	_ = 	snop  }
0x39: {  	[tilespmem:s16], [sflag:$0x1] =	stream.indirect_vreg.gather [hbm4b:s3+s2], $0x80, v3, vm0, $0xb8;
	[tilespmem:$0xC080] =	vst v63  }
0x3a: {  	_ = 	snop  }
0x3b: {  	[tilespmem:s17], [sflag:$0x1] =	stream.indirect_vreg.gather [hbm4b:s4+s2], $0x80, v3, vm0, $0xb8;
	[tilespmem:$0xC080] =	vst v63  }
0x3c: {  	_ = 	snop  }
0x3d: {  	[tilespmem:s18], [sflag:$0x1] =	stream.indirect_vreg.gather [hbm4b:s5+s2], $0x80, v3, vm0, $0xb8;
	[tilespmem:$0xC080] =	vst v63  }
0x3e: {  	v3 =	vld [tilespmem:$0x20];
	_ =	sdelay $0x4  }
0x3f: {  	v62 =	vshrl.u32 v3, $0x3  }
0x40: {  	v4 =	vmul.u32 $0x30, v62  }
0x41: {  	v3 =	vand.u32 $0x7, v3  }
0x42: {  	v3 =	vor.u32 v3, v4  }
0x43: {  	v4 =	vperm.xlane v3, v0;
	_ =	sdelay $0x1  }
0x44: {  	v4 =	vadd.s32 v1, v4;
	_ =	sdelay $0x3  }
0x45: {  	v3 =	vperm.xlane v3, v2  }
0x46: {  	[tilespmem:s19], [sflag:$0x1] =	stream.indirect_vreg.gather [hbm4b:s3+s2], $0x80, v4, vm0, $0xb8;
	[tilespmem:$0xC080] =	vst v63  }
0x47: {  	v3 =	vadd.s32 v1, v3  }
0x48: {  	[tilespmem:s20], [sflag:$0x1] =	stream.indirect_vreg.gather [hbm4b:s4+s2], $0x80, v4, vm0, $0xb8;
	[tilespmem:$0xC080] =	vst v63  }
0x49: {  	_ = 	snop  }
0x4a: {  	[tilespmem:s21], [sflag:$0x1] =	stream.indirect_vreg.gather [hbm4b:s5+s2], $0x80, v4, vm0, $0xb8;
	[tilespmem:$0xC080] =	vst v63  }
0x4b: {  	_ = 	snop  }
0x4c: {  	[tilespmem:s22], [sflag:$0x1] =	stream.indirect_vreg.gather [hbm4b:s3+s2], $0x80, v3, vm0, $0xb8;
	[tilespmem:$0xC080] =	vst v63  }
0x4d: {  	_ = 	snop  }
0x4e: {  	[tilespmem:s23], [sflag:$0x1] =	stream.indirect_vreg.gather [hbm4b:s4+s2], $0x80, v3, vm0, $0xb8;
	[tilespmem:$0xC080] =	vst v63  }
0x4f: {  	_ = 	snop  }
0x50: {  	[tilespmem:s24], [sflag:$0x1] =	stream.indirect_vreg.gather [hbm4b:s5+s2], $0x80, v3, vm0, $0xb8;
	[tilespmem:$0xC080] =	vst v63  }
0x51: {  	v3 =	vld [tilespmem:$0x30];
	_ =	sdelay $0x4  }
0x52: {  	v63 =	vshrl.u32 v3, $0x3  }
0x53: {  	v4 =	vmul.u32 $0x30, v63  }
0x54: {  	v3 =	vand.u32 $0x7, v3  }
0x55: {  	v3 =	vor.u32 v3, v4  }
0x56: {  	v4 =	vperm.xlane v3, v0;
	_ =	sdelay $0x1  }
0x57: {  	v4 =	vadd.s32 v1, v4;
	_ =	sdelay $0x3  }
0x58: {  	v3 =	vperm.xlane v3, v2  }
0x59: {  	[tilespmem:s25], [sflag:$0x1] =	stream.indirect_vreg.gather [hbm4b:s3+s2], $0x80, v4, vm0, $0xb8;
	[tilespmem:$0xC080] =	vst v63  }
0x5a: {  	v3 =	vadd.s32 v1, v3  }
0x5b: {  	[tilespmem:s26], [sflag:$0x1] =	stream.indirect_vreg.gather [hbm4b:s4+s2], $0x80, v4, vm0, $0xb8;
	[tilespmem:$0xC080] =	vst v63  }
0x5c: {  	_ = 	snop  }
0x5d: {  	[tilespmem:s28], [sflag:$0x1] =	stream.indirect_vreg.gather [hbm4b:s5+s2], $0x80, v4, vm0, $0xb8;
	[tilespmem:$0xC080] =	vst v63  }
0x5e: {  	_ = 	snop  }
0x5f: {  	[tilespmem:s29], [sflag:$0x1] =	stream.indirect_vreg.gather [hbm4b:s3+s2], $0x80, v3, vm0, $0xb8;
	[tilespmem:$0xC080] =	vst v63  }
0x60: {  	_ = 	snop  }
0x61: {  	[tilespmem:s30], [sflag:$0x1] =	stream.indirect_vreg.gather [hbm4b:s4+s2], $0x80, v3, vm0, $0xb8;
	[tilespmem:$0xC080] =	vst v63  }
0x62: {  	_ = 	snop  }
0x63: {  	[tilespmem:s31], [sflag:$0x1] =	stream.indirect_vreg.gather [hbm4b:s5+s2], $0x80, v3, vm0, $0xb8;
	[tilespmem:$0xC080] =	vst v63  }
0x64: {  	_ =	swait.ge [sflag:s0], $0xC000  }
0x65: {  	p0 =	sne.s32 s6, $0x1;
	[sflag:s0] =	ssyncset.done $0x0  }
.Ltmp0:
0x66: {  	s1 =	rddreg [dreg:$0x4];
	[sflag:s0] =	ssyncadd.s32 $0xFFFF4000;
	(pc) =	sbr.rel @p0 .LBB2_1-.Ltmp0, $4  }
0x67: {  	[hbm4b:s1+s2] =	stream.linear.scatter [tilespmem:s8], [sflag:$0x2], $0xC000, $0x38;
	[tilespmem:$0xC080] =	vst v63  }
0x68: {  	_ =	swait.ge [sflag:s7], $0xC000  }
0x69: {  	[sflag:s7] =	ssyncset.done $0x0  }
0x6a: {  	s6 =	sadd.s32 $0xFFFFFFFF, s6;
	[sflag:s7] =	ssyncadd.s32 $0xFFFF4000  }
0x6b: {  	_ =	sfence.sel $0x180000  }
0x6c: {  	[bflag:$0x0] =	sbarrier.arrive $0xFFFF  }
0x6d: {  	_ =	strace $0x9000004A  }
0x6e: {  	s0 =	stileid.u32;
	[bflag:$0x2] =	sbarrier.arrive $0xFFFF  }
0x6f: {  	p0 =	sne.s32 s0, $0x0;
	s0 =	rddreg [dreg:$0x2]  }
0x70: {  	s0 =	sadd.s32 @!p0 $0x100000, s0  }
0x71: {  	[sflag:s0] =	ssyncadd.tile.s32 @!p0 $0x1;
	_ =	shalt  }
.Lfunc_end2:
_tile_overlayer_lowered:
.L_overlay_start_2:
0x72: {  	(tag) =	ssettag $0x2  }
0x73: {  	s0 =	rddreg [dreg:$0x0];
	s2 =	stileid.u32  }
0x74: {  	s1 =	rddreg [dreg:$0x1];
	p0 =	sne.s32 s2, $0x0  }
0x75: {  	s3 =	rddreg [dreg:$0x2];
	[bflag:$0x3] =	sbarrier.arrive $0xFFFF;
	s2 =	simm.s32 @!p0 $0x1C02  }
0x76: {  	[timem:s3], [sflag:s2] =	dma.local @!p0 [hbm:s0], s1  }
0x77: {  	s0 =	simm.s32 @!p0 $0x2  }
0x78: {  	_ =	swait.ge @!p0 [sflag:s0], s1  }
0x79: {  	s1 =	ssub.s32 @!p0 $0x0, s1;
	[sflag:s0] =	ssyncset.done @!p0 $0x0  }
0x7a: {  	[sflag:s0] =	ssyncadd.s32 @!p0 s1  }
0x7b: {  	[bflag:$0x3] =	sbarrier.arrive $0xFFFF  }
0x7c: {  	_ =	shalt  }

// kernel: kernel.7.cloned.1.call-start
scs
__scs_entry_jumppad:
0x0: {  	(pc) =	sbr.rel $0x88, $3  }
0x1: {  	(tag) =	ssettag $0x0;
	lr =	simm.s32 $0x1  }
0x2: {  	[smem:$0x3F98] =	sst lr;
	_ =	strace $0xD0000000  }
0x3: {  	_ = 	snop  }
0x4: {  	_ = 	snop  }
0x5: {  	_ = 	snop  }
0x6: {  	_ = 	snop  }
0x7: {  	_ = 	snop  }
__scs_overlays_trampoline_lowered:
0x8: {  	[smem:$0x3FA7] =	sst s0  }
0x9: {  	[smem:$0x3FA8] =	sst s1  }
0xa: {  	[smem:$0x3FA9] =	sst s2  }
0xb: {  	[smem:$0x3FAA] =	sst s3  }
0xc: {  	[smem:$0x3FAB] =	sst s4  }
0xd: {  	[smem:$0x3FAC] =	sst s5  }
0xe: {  	[smem:$0x3FAD] =	sst s6  }
0xf: {  	[smem:$0x3FAE] =	sst s7  }
0x10: {  	[smem:$0x3FAF] =	sst s8  }
0x11: {  	[smem:$0x3FB0] =	sst s9;
	s0 =	simm.s32 @!p0 $0x0  }
0x12: {  	s1 =	sld [smem:$0x3F96];
	s0 =	simm.s32 @p0 $0x1  }
0x13: {  	[smem:$0x3FB1] =	sst s0;
	s0 =	simm.s32 @!p1 $0x0  }
0x14: {  	s2 =	sld [smem:$0x3F95];
	s0 =	simm.s32 @p1 $0x1  }
0x15: {  	[smem:$0x3FB2] =	sst s0;
	s0 =	simm.s32 @!p2 $0x0  }
0x16: {  	s3 =	sld [smem:$0x3FDB];
	s0 =	simm.s32 @p2 $0x1  }
0x17: {  	s4 =	simm.s32 $0x1BF5;
	[smem:$0x3FB4] =	sst s0  }
0x18: {  	s0 =	sld [smem:$0x3F97];
	_ =	swait.ge [sflag:s4], $0x0  }
0x19: {  	s7 =	sld [smem:$0x3F98]  }
0x1a: {  	s8 =	sadd.s32 $0xFFFFE003, lr  }
0x1b: {  	s9 =	sadd.s32 $0xFFFFFEF7, lr;
	s5 =	simm.s32 $0xFFFFFFFF;
	p2 =	slt.u32 s8, $0xFFFFF086  }
0x1c: {  	p1 =	slt.u32 s9, $0xF7A;
	s5 =	simm.s32 @!p2 $0x0  }
0x1d: {  	s5 =	simm.s32 @p1 $0x1;
	p0 =	seq.s32 s7, s2  }
0x1e: {  	s7 =	smul.u32 @!p0 $0xF7A, s2;
	p2 =	seq.s32 @!p0 s5, $0x0  }
0x1f: {  	s9 =	smul.u32 $0xF7A, s1;
	s8 =	simm.s32 @!p0 $0x1BF5;
	p2 =	por !p2, p0  }
0x20: {  	[sflag:s8] =	ssyncset.s32 @!p0 $0xFFFFF086;
	s6 =	sadd.s32 @!p0 s3, s7;
	s7 =	simm.s32 @!p0 $0x108  }
0x21: {  	s3 =	sadd.s32 s3, s9;
	s6 =	sadd.s32 @!p0 $0x88, s6;
	s7 =	simm.s32 @p2 $0x1082  }
0x22: {  	[simem:s7], [sflag:s8] =	dma.local @!p0 [hbm:s6], $0xF7A  }
0x23: {  	s9 =	sor.u32 $0xD0000000, s2;
	s6 =	simm.s32 $0x108;
	_ =	swait.ge @!p0 [sflag:s8], $0x0  }
0x24: {  	s3 =	sadd.s32 $0x88, s3;
	s6 =	simm.s32 @!p1 $0x1082;
	[sflag:s4] =	ssyncset.s32 $0xFFFFF086  }
0x25: {  	[simem:s6], [sflag:s4] =	dma.local [hbm:s3], $0xF7A  }
0x26: {  	[smem:$0x3F98] =	sst s1;
	(tag) =	ssettag s2;
	_ =	strace s9  }
0x27: {  	s1 =	sld [smem:$0x3FA8]  }
0x28: {  	s2 =	sld [smem:$0x3FA9]  }
0x29: {  	s4 =	sld [smem:$0x3FAB]  }
0x2a: {  	p0 =	seq.s32 s5, $0x0;
	s5 =	sld [smem:$0x3FAC]  }
0x2b: {  	s6 =	sld [smem:$0x3FAD]  }
0x2c: {  	s7 =	sld [smem:$0x3FAE]  }
0x2d: {  	s3 =	simm.s32 $0x108;
	s8 =	sld [smem:$0x3FAF]  }
0x2e: {  	s3 =	simm.s32 @!p0 $0x1082;
	s9 =	sld [smem:$0x3FB0]  }
0x2f: {  	lr =	sadd.s32 s0, s3;
	s0 =	sld [smem:$0x3FA7]  }
0x30: {  	s3 =	sld [smem:$0x3FAA]  }
0x31: {  	[smem:$0x3FB3] =	sst s10  }
0x32: {  	s10 =	sld [smem:$0x3FB1];
	_ =	sdelay $0x3  }
0x33: {  	p0 =	seq.s32 s10, $0x1;
	s10 =	sld [smem:$0x3FB3];
	_ =	sdelay $0x3  }
0x34: {  	[smem:$0x3FB3] =	sst s10  }
0x35: {  	s10 =	sld [smem:$0x3FB2];
	_ =	sdelay $0x3  }
0x36: {  	p1 =	seq.s32 s10, $0x1;
	s10 =	sld [smem:$0x3FB3];
	_ =	sdelay $0x3  }
0x37: {  	[smem:$0x3FB3] =	sst s10  }
0x38: {  	s10 =	sld [smem:$0x3FB4]  }
0x39: {  	_ = 	snop;
	(pc) =	sbr.ind lr, $3  }
0x3a: {  	_ = 	snop  }
0x3b: {  	_ = 	snop  }
0x3c: {  	p2 =	seq.s32 s10, $0x1;
	s10 =	sld [smem:$0x3FB3]  }
0x3d: {  	_ =	shalt  }
0x3e: {  	_ =	shalt  }
0x3f: {  	_ =	shalt  }
0x40: {  	_ =	shalt  }
0x41: {  	_ =	shalt  }
0x42: {  	_ =	shalt  }
0x43: {  	_ =	shalt  }
0x44: {  	_ =	shalt  }
0x45: {  	_ =	shalt  }
0x46: {  	_ =	shalt  }
0x47: {  	_ =	shalt  }
0x48: {  	_ =	shalt  }
0x49: {  	_ =	shalt  }
0x4a: {  	_ =	shalt  }
0x4b: {  	_ =	shalt  }
0x4c: {  	_ =	shalt  }
0x4d: {  	_ =	shalt  }
0x4e: {  	_ =	shalt  }
0x4f: {  	_ =	shalt  }
0x50: {  	_ =	shalt  }
0x51: {  	_ =	shalt  }
0x52: {  	_ =	shalt  }
0x53: {  	_ =	shalt  }
0x54: {  	_ =	shalt  }
0x55: {  	_ =	shalt  }
0x56: {  	_ =	shalt  }
0x57: {  	_ =	shalt  }
0x58: {  	_ =	shalt  }
0x59: {  	_ =	shalt  }
0x5a: {  	_ =	shalt  }
0x5b: {  	_ =	shalt  }
0x5c: {  	_ =	shalt  }
0x5d: {  	_ =	shalt  }
0x5e: {  	_ =	shalt  }
0x5f: {  	_ =	shalt  }
0x60: {  	_ =	shalt  }
0x61: {  	_ =	shalt  }
0x62: {  	_ =	shalt  }
0x63: {  	_ =	shalt  }
0x64: {  	_ =	shalt  }
0x65: {  	_ =	shalt  }
0x66: {  	_ =	shalt  }
0x67: {  	_ =	shalt  }
0x68: {  	_ =	shalt  }
0x69: {  	_ =	shalt  }
0x6a: {  	_ =	shalt  }
0x6b: {  	_ =	shalt  }
0x6c: {  	_ =	shalt  }
0x6d: {  	_ =	shalt  }
0x6e: {  	_ =	shalt  }
0x6f: {  	_ =	shalt  }
0x70: {  	_ =	shalt  }
0x71: {  	_ =	shalt  }
0x72: {  	_ =	shalt  }
0x73: {  	_ =	shalt  }
0x74: {  	_ =	shalt  }
0x75: {  	_ =	shalt  }
0x76: {  	_ =	shalt  }
0x77: {  	_ =	shalt  }
0x78: {  	_ =	shalt  }
0x79: {  	_ =	shalt  }
0x7a: {  	_ =	shalt  }
0x7b: {  	_ =	shalt  }
0x7c: {  	_ =	shalt  }
0x7d: {  	_ =	shalt  }
0x7e: {  	_ =	shalt  }
0x7f: {  	_ =	shalt  }
0x80: {  	_ =	shalt  }
0x81: {  	_ =	shalt  }
0x82: {  	_ =	shalt  }
0x83: {  	_ =	shalt  }
0x84: {  	_ =	shalt  }
0x85: {  	_ =	shalt  }
0x86: {  	_ =	shalt  }
0x87: {  	_ =	shalt  }
.Lfunc_end0:
.L_simem_size_0:
called_computation_lowered:
.L_overlay_start_0:
0x88: {  	s2 =	sld [smem:$0x3FD9]  }
0x89: {  	s3 =	sld [smem:$0x3FFE];
	_ =	sdelay $0x1  }
0x8a: {  	s1 =	srdreg.scid  }
0x8b: {  	s0 =	sand.u32 $0x1, s1  }
0x8c: {  	s14 =	sshll.u32 s0, $0xA;
	s2 =	sadd.s32 s3, s2  }
0x8d: {  	s2 =	sadd.s32 s2, s14  }
0x8e: {  	[smem:$0x3FBF] =	sst s2  }
0x8f: {  	_ = 	snop  }
0x90: {  	s2 =	sld [smem:$0x3FD0];
	_ =	sdelay $0x2  }
0x91: {  	s4 =	simm.s32 $0xA;
	s5 =	simm.s32 $0x10;
	s15 =	sld [smem:$0x3FC9]  }
0x92: {  	[smem:s5], [sflag:s4] =	dma.local [hbm:s2], $0x1  }
0x93: {  	_ =	swait.eq [sflag:s4], $0x1  }
0x94: {  	[sflag:s4] =	ssyncset.done $0x0  }
0x95: {  	[sflag:s4] =	ssyncadd.s32 $0xFFFFFFFF  }
0x96: {  	s16 =	sld [smem:$0x10];
	(tm) =	ssettm $0x1  }
0x97: {  	s17 =	sld [smem:$0x3FFB];
	_ =	sdelay $0x3  }
0x98: {  	_ =	strace s17  }
0x99: {  	s4 =	sld [smem:$0x3FFC];
	_ =	sdelay $0x3  }
0x9a: {  	_ =	strace s4  }
0x9b: {  	s4 =	sld [smem:$0x3FFD];
	_ =	sdelay $0x3  }
0x9c: {  	_ =	strace s4  }
0x9d: {  	_ =	strace $0x8FFFFFFF  }
0x9e: {  	s18 =	sld [smem:$0x3FDB];
	_ =	sdelay $0x1  }
0x9f: {  	s19 =	simm.s32 $_scs_section_size  }
0xa0: {  	s6 =	simm.s32 $_size__tile_overlayer_lowered;
	s7 =	simm.s32 $_tile_overlayer_lowered  }
0xa1: {  	s22 =	simm.s32 $0x1BFF;
	s21 =	sshll.u32 s7, $0x1;
	s4 =	sadd.s32 s19, s18  }
0xa2: {  	s8 =	simm.s32 $0x0;
	s20 =	sshll.u32 s6, $0x1;
	s6 =	sadd.s32 s21, s4  }
0xa3: {  	[timem:s8], [sflag:s22] =	dma.local [hbm:s6], s20  }
0xa4: {  	_ =	swait.ge [sflag:s22], s20  }
0xa5: {  	s5 =	ssub.s32 $0x0, s20;
	[sflag:s22] =	ssyncset.done $0x0  }
0xa6: {  	[sflag:s22] =	ssyncadd.s32 s5;
	_ =	sdelay $0x1  }
0xa7: {  	s23 =	simm.s32 $0x1B8B  }
0xa8: {  	_ =	swait.ge [sflag:s23], $0x1  }
0xa9: {  	[sflag:s23] =	ssyncset.done $0x0  }
0xaa: {  	s25 =	simm.s32 $0x1B8E;
	s24 =	sld [smem:$0x3FFE];
	[sflag:s23] =	ssyncadd.s32 $0xFFFFFFFF  }
0xab: {  	s26 =	simm.s32 $execute0_lowered;
	[smem:$0x3FD2] =	sst s25  }
0xac: {  	s6 =	sshll.u32 s26, $0x1;
	_ =	strace $0x80000046;
	[dreg:$0x1] =	wrdreg $0xFFFFFFFF  }
0xad: {  	s28 =	simm.s32 $_size_execute0_lowered;
	s4 =	sadd.s32 s4, s6;
	[dreg:$0x0] =	wrdreg $0x0  }
0xae: {  	s6 =	sshll.u32 s28, $0x1;
	[dreg:$0x2] =	wrdreg s4  }
0xaf: {  	[dreg:$0x3] =	wrdreg s6  }
0xb0: {  	[dreg:$0x4] =	wrdreg $0xC0  }
0xb1: {  	_ =	task [dreg:s8], $0x5FFFF  }
0xb2: {  	[dreg:$0x1] =	wrdreg $0xFFFFFFFF  }
0xb3: {  	[dreg:$0x0] =	wrdreg $0x60  }
0xb4: {  	[dreg:$0x2] =	wrdreg s15  }
0xb5: {  	[dreg:$0x3] =	wrdreg s24  }
0xb6: {  	[dreg:$0x4] =	wrdreg s16  }
0xb7: {  	[dreg:$0x5] =	wrdreg $0x9  }
0xb8: {  	_ =	task.clear_ibuf [dreg:s8], $0x6FFFF;
	_ =	strace $0x90000046  }
0xb9: {  	s29 =	simm.s32 $0x9;
	_ =	strace $0x80000048  }
0xba: {  	_ =	swait.ge [sflag:s29], $0x1  }
0xbb: {  	[sflag:s29] =	ssyncadd.s32 $0xFFFFFFFF  }
0xbc: {  	_ =	strace $0x90000048  }
0xbd: {  	_ =	sfence  }
0xbe: {  	s30 =	sld [smem:$0x0];
	_ =	sdelay $0x2  }
0xbf: {  	s31 =	sshll.u32 s1, $0xD;
	s1 =	sshrl.u32 s1, $0x2  }
0xc0: {  	s3 =	sand.u32 $0x4000, s31;
	s1 =	sadd.s32 s1, s30  }
0xc1: {  	s0 =	sor.u32 s3, s0;
	s1 =	sshll.u32 s1, $0x11  }
0xc2: {  	s0 =	sor.u32 s1, s0  }
0xc3: {  	s0 =	sadd.s32 $0x8F2B, s0  }
0xc4: {  	[sflag:s0] =	ssyncadd.remote.s32 $0x1  }
0xc5: {  	_ =	sfence.sel $0xFFFF  }
0xc6: {  	[dreg:$0x0] =	wrdreg $0xFFFFFFFF;
	(pc) =	sbr.abs _section_cstart, $3  }
0xc7: {  	[dreg:$0x1] =	wrdreg $0xFFFFFFFF  }
0xc8: {  	_ =	task.clear_ibuf [dreg:s8], $0x2FFFF;
	_ =	strace $0x9FFFFFFF  }
0xc9: {  	(tm) =	ssettm $0x7FFFFFFF  }
tec
execute0_lowered:
.L_overlay_start_1:
0x0: {  	(tag) =	ssettag $0x1  }
0x1: {  	s1 =	rddreg [dreg:$0x0];
	s2 =	srdreg.scid  }
0x2: {  	s4 =	rddreg [dreg:$0x1];
	s0 =	stileid.u32;
	s3 =	simm.s32 $0x0  }
0x3: {  	s8 =	simm.s32 $0x80;
	s26 =	simm.s32 $0x880;
	s9 =	simm.s32 $0x1080  }
0x4: {  	s10 =	simm.s32 $0x1880;
	s11 =	simm.s32 $0x2080;
	s12 =	simm.s32 $0x2880  }
0x5: {  	s13 =	simm.s32 $0x3080;
	s14 =	simm.s32 $0x3880;
	s15 =	simm.s32 $0x4080  }
0x6: {  	s16 =	simm.s32 $0x4880;
	s17 =	simm.s32 $0x5080;
	s18 =	simm.s32 $0x5880  }
0x7: {  	s19 =	simm.s32 $0x6080;
	s20 =	simm.s32 $0x6880;
	s21 =	simm.s32 $0x7080  }
0x8: {  	s22 =	simm.s32 $0x7880;
	s23 =	simm.s32 $0x8080;
	s24 =	simm.s32 $0x8880  }
0x9: {  	s28 =	simm.s32 $0xA080;
	s29 =	simm.s32 $0xA880;
	s30 =	simm.s32 $0xB080  }
0xa: {  	s31 =	simm.s32 $0xB880;
	s5 =	sand.u32 $0x1, s2;
	s2 =	rddreg [dreg:$0x2]  }
0xb: {  	s6 =	sshll.u32 s0, $0x4;
	[smem:$0x7FF] =	sst s3;
	s7 =	sshll.u32 s5, $0x3  }
0xc: {  	_ =	strace $0x80000047;
	s5 =	ssub.s32 $0x2, s5;
	[dreg:$0x6] =	wrdreg s26  }
0xd: {  	s26 =	simm.s32 $0x9880;
	s6 =	sor.u32 s7, s6;
	s25 =	sshrl.u32 s5, $0x1  }
0xe: {  	s7 =	smul.u32 $0x300, s6;
	s4 =	sadd.s32 s4, s6;
	s6 =	ssub.s32 s5, s25  }
0xf: {  	v2 =	vlaneseq.u32;
	s5 =	sadd.s32 $0x200, s2;
	s25 =	simm.s32 $0x9080;
	[dreg:$0x4] =	wrdreg s4  }
0x10: {  	vm0 =	vmmov $0xffff;
	v1 =	vshrl.u32 v2, $0x3;
	s4 =	sadd.s32 $0x100, s2;
	s6 =	smax.u32 s6, $0x1;
	s1 =	sadd.s32 s1, s7  }
0x11: {  	v0 =	vand.u32 $0x7, v2;
	v2 =	vor.u32 $0x8, v2;
	v1 =	vmul.u32 $0x8, v1;
	s7 =	simm.s32 $0x2;
	[dreg:$0x5] =	wrdreg s1;
	s1 =	simm.s32 $0x1  }
.LBB2_1:
0x12: {  	s0 =	rddreg [dreg:$0x4]  }
0x13: {  	[tilespmem:s3], [sflag:$0x2] =	stream.linear.gather [hbm4b:s0+s3], $0x40, $0x38;
	[tilespmem:$0xC080] =	vst v63  }
0x14: {  	_ =	swait.ge [sflag:s7], $0x40  }
0x15: {  	[sflag:s7] =	ssyncset.done $0x0  }
0x16: {  	s0 =	rddreg [dreg:$0x5];
	[sflag:s7] =	ssyncadd.s32 $0xFFFFFFC0  }
0x17: {  	[tilespmem:s8], [sflag:$0x2] =	stream.linear.gather [hbm4b:s0+s3], $0xC000, $0x38;
	[tilespmem:$0xC080] =	vst v63  }
0x18: {  	_ =	swait.ge [sflag:s7], $0xC000  }
0x19: {  	[sflag:s7] =	ssyncset.done $0x0  }
0x1a: {  	[sflag:s7] =	ssyncadd.s32 $0xFFFF4000  }
0x1b: {  	v3 =	vld [tilespmem:$0x0];
	_ =	sdelay $0x4  }
0x1c: {  	v4 =	vshrl.u32 v3, $0x3  }
0x1d: {  	v4 =	vmul.u32 $0x30, v4  }
0x1e: {  	v3 =	vand.u32 $0x7, v3  }
0x1f: {  	v3 =	vor.u32 v3, v4  }
0x20: {  	v4 =	vperm.xlane v3, v0;
	_ =	sdelay $0x1  }
0x21: {  	v4 =	vadd.s32 v1, v4;
	_ =	sdelay $0x3  }
0x22: {  	v3 =	vperm.xlane v3, v2  }
0x23: {  	[hbm4b:s2+s3] =	stream.indirect_vreg.scatter [tilespmem:s8], [sflag:$0x1], $0x80, v4, vm0, $0xb8;
	[tilespmem:$0xC080] =	vst v63  }
0x24: {  	s0 =	rddreg [dreg:$0x6];
	v3 =	vadd.s32 v1, v3  }
0x25: {  	[hbm4b:s4+s3] =	stream.indirect_vreg.scatter [tilespmem:s0], [sflag:$0x1], $0x80, v4, vm0, $0xb8;
	[tilespmem:$0xC080] =	vst v63  }
0x26: {  	_ = 	snop  }
0x27: {  	[hbm4b:s5+s3] =	stream.indirect_vreg.scatter [tilespmem:s9], [sflag:$0x1], $0x80, v4, vm0, $0xb8;
	[tilespmem:$0xC080] =	vst v63  }
0x28: {  	_ = 	snop  }
0x29: {  	[hbm4b:s2+s3] =	stream.indirect_vreg.scatter [tilespmem:s10], [sflag:$0x1], $0x80, v3, vm0, $0xb8;
	[tilespmem:$0xC080] =	vst v63  }
0x2a: {  	_ = 	snop  }
0x2b: {  	[hbm4b:s4+s3] =	stream.indirect_vreg.scatter [tilespmem:s11], [sflag:$0x1], $0x80, v3, vm0, $0xb8;
	[tilespmem:$0xC080] =	vst v63  }
0x2c: {  	_ = 	snop  }
0x2d: {  	[hbm4b:s5+s3] =	stream.indirect_vreg.scatter [tilespmem:s12], [sflag:$0x1], $0x80, v3, vm0, $0xb8;
	[tilespmem:$0xC080] =	vst v63  }
0x2e: {  	v3 =	vld [tilespmem:$0x10];
	_ =	sdelay $0x4  }
0x2f: {  	v61 =	vshrl.u32 v3, $0x3  }
0x30: {  	v4 =	vmul.u32 $0x30, v61  }
0x31: {  	v3 =	vand.u32 $0x7, v3  }
0x32: {  	v3 =	vor.u32 v3, v4  }
0x33: {  	v4 =	vperm.xlane v3, v0;
	_ =	sdelay $0x1  }
0x34: {  	v4 =	vadd.s32 v1, v4;
	_ =	sdelay $0x3  }
0x35: {  	v3 =	vperm.xlane v3, v2  }
0x36: {  	[hbm4b:s2+s3] =	stream.indirect_vreg.scatter [tilespmem:s13], [sflag:$0x1], $0x80, v4, vm0, $0xb8;
	[tilespmem:$0xC080] =	vst v63  }
0x37: {  	v3 =	vadd.s32 v1, v3  }
0x38: {  	[hbm4b:s4+s3] =	stream.indirect_vreg.scatter [tilespmem:s14], [sflag:$0x1], $0x80, v4, vm0, $0xb8;
	[tilespmem:$0xC080] =	vst v63  }
0x39: {  	_ = 	snop  }
0x3a: {  	[hbm4b:s5+s3] =	stream.indirect_vreg.scatter [tilespmem:s15], [sflag:$0x1], $0x80, v4, vm0, $0xb8;
	[tilespmem:$0xC080] =	vst v63  }
0x3b: {  	_ = 	snop  }
0x3c: {  	[hbm4b:s2+s3] =	stream.indirect_vreg.scatter [tilespmem:s16], [sflag:$0x1], $0x80, v3, vm0, $0xb8;
	[tilespmem:$0xC080] =	vst v63  }
0x3d: {  	_ = 	snop  }
0x3e: {  	[hbm4b:s4+s3] =	stream.indirect_vreg.scatter [tilespmem:s17], [sflag:$0x1], $0x80, v3, vm0, $0xb8;
	[tilespmem:$0xC080] =	vst v63  }
0x3f: {  	_ = 	snop  }
0x40: {  	[hbm4b:s5+s3] =	stream.indirect_vreg.scatter [tilespmem:s18], [sflag:$0x1], $0x80, v3, vm0, $0xb8;
	[tilespmem:$0xC080] =	vst v63  }
0x41: {  	v3 =	vld [tilespmem:$0x20];
	_ =	sdelay $0x4  }
0x42: {  	v62 =	vshrl.u32 v3, $0x3  }
0x43: {  	v4 =	vmul.u32 $0x30, v62  }
0x44: {  	v3 =	vand.u32 $0x7, v3  }
0x45: {  	v3 =	vor.u32 v3, v4  }
0x46: {  	v4 =	vperm.xlane v3, v0;
	_ =	sdelay $0x1  }
0x47: {  	v4 =	vadd.s32 v1, v4;
	_ =	sdelay $0x3  }
0x48: {  	v3 =	vperm.xlane v3, v2  }
0x49: {  	[hbm4b:s2+s3] =	stream.indirect_vreg.scatter [tilespmem:s19], [sflag:$0x1], $0x80, v4, vm0, $0xb8;
	[tilespmem:$0xC080] =	vst v63  }
0x4a: {  	v3 =	vadd.s32 v1, v3  }
0x4b: {  	[hbm4b:s4+s3] =	stream.indirect_vreg.scatter [tilespmem:s20], [sflag:$0x1], $0x80, v4, vm0, $0xb8;
	[tilespmem:$0xC080] =	vst v63  }
0x4c: {  	_ = 	snop  }
0x4d: {  	[hbm4b:s5+s3] =	stream.indirect_vreg.scatter [tilespmem:s21], [sflag:$0x1], $0x80, v4, vm0, $0xb8;
	[tilespmem:$0xC080] =	vst v63  }
0x4e: {  	_ = 	snop  }
0x4f: {  	[hbm4b:s2+s3] =	stream.indirect_vreg.scatter [tilespmem:s22], [sflag:$0x1], $0x80, v3, vm0, $0xb8;
	[tilespmem:$0xC080] =	vst v63  }
0x50: {  	_ = 	snop  }
0x51: {  	[hbm4b:s4+s3] =	stream.indirect_vreg.scatter [tilespmem:s23], [sflag:$0x1], $0x80, v3, vm0, $0xb8;
	[tilespmem:$0xC080] =	vst v63  }
0x52: {  	_ = 	snop  }
0x53: {  	[hbm4b:s5+s3] =	stream.indirect_vreg.scatter [tilespmem:s24], [sflag:$0x1], $0x80, v3, vm0, $0xb8;
	[tilespmem:$0xC080] =	vst v63  }
0x54: {  	v3 =	vld [tilespmem:$0x30];
	_ =	sdelay $0x4  }
0x55: {  	v63 =	vshrl.u32 v3, $0x3  }
0x56: {  	v4 =	vmul.u32 $0x30, v63  }
0x57: {  	v3 =	vand.u32 $0x7, v3  }
0x58: {  	v3 =	vor.u32 v3, v4  }
0x59: {  	v4 =	vperm.xlane v3, v0;
	_ =	sdelay $0x1  }
0x5a: {  	v4 =	vadd.s32 v1, v4;
	_ =	sdelay $0x3  }
0x5b: {  	v3 =	vperm.xlane v3, v2  }
0x5c: {  	[hbm4b:s2+s3] =	stream.indirect_vreg.scatter [tilespmem:s25], [sflag:$0x1], $0x80, v4, vm0, $0xb8;
	[tilespmem:$0xC080] =	vst v63  }
0x5d: {  	v3 =	vadd.s32 v1, v3  }
0x5e: {  	[hbm4b:s4+s3] =	stream.indirect_vreg.scatter [tilespmem:s26], [sflag:$0x1], $0x80, v4, vm0, $0xb8;
	[tilespmem:$0xC080] =	vst v63  }
0x5f: {  	_ = 	snop  }
0x60: {  	[hbm4b:s5+s3] =	stream.indirect_vreg.scatter [tilespmem:s28], [sflag:$0x1], $0x80, v4, vm0, $0xb8;
	[tilespmem:$0xC080] =	vst v63  }
0x61: {  	_ = 	snop  }
0x62: {  	[hbm4b:s2+s3] =	stream.indirect_vreg.scatter [tilespmem:s29], [sflag:$0x1], $0x80, v3, vm0, $0xb8;
	[tilespmem:$0xC080] =	vst v63  }
0x63: {  	p0 =	sne.s32 s6, $0x1  }
0x64: {  	[hbm4b:s4+s3] =	stream.indirect_vreg.scatter [tilespmem:s30], [sflag:$0x1], $0x80, v3, vm0, $0xb8;
	[tilespmem:$0xC080] =	vst v63  }
.Ltmp0:
0x65: {  	_ = 	snop;
	(pc) =	sbr.rel @p0 .LBB2_1-.Ltmp0, $4  }
0x66: {  	[hbm4b:s5+s3] =	stream.indirect_vreg.scatter [tilespmem:s31], [sflag:$0x1], $0x80, v3, vm0, $0xb8;
	[tilespmem:$0xC080] =	vst v63  }
0x67: {  	_ =	swait.ge [sflag:s1], $0xC000  }
0x68: {  	[sflag:s1] =	ssyncset.done $0x0  }
0x69: {  	s6 =	sadd.s32 $0xFFFFFFFF, s6;
	[sflag:s1] =	ssyncadd.s32 $0xFFFF4000  }
0x6a: {  	_ =	sfence.sel $0x180000  }
0x6b: {  	[bflag:$0x0] =	sbarrier.arrive $0xFFFF  }
0x6c: {  	_ =	strace $0x90000047  }
0x6d: {  	s0 =	stileid.u32;
	[bflag:$0x2] =	sbarrier.arrive $0xFFFF  }
0x6e: {  	p0 =	sne.s32 s0, $0x0;
	s0 =	rddreg [dreg:$0x3]  }
0x6f: {  	s0 =	sadd.s32 @!p0 $0x100000, s0  }
0x70: {  	[sflag:s0] =	ssyncadd.tile.s32 @!p0 $0x1;
	_ =	shalt  }
.Lfunc_end2:
_tile_overlayer_lowered:
.L_overlay_start_2:
0x71: {  	(tag) =	ssettag $0x2  }
0x72: {  	s0 =	rddreg [dreg:$0x0];
	s2 =	stileid.u32  }
0x73: {  	s1 =	rddreg [dreg:$0x1];
	p0 =	sne.s32 s2, $0x0  }
0x74: {  	s3 =	rddreg [dreg:$0x2];
	[bflag:$0x3] =	sbarrier.arrive $0xFFFF;
	s2 =	simm.s32 @!p0 $0x1C02  }
0x75: {  	[timem:s3], [sflag:s2] =	dma.local @!p0 [hbm:s0], s1  }
0x76: {  	s0 =	simm.s32 @!p0 $0x2  }
0x77: {  	_ =	swait.ge @!p0 [sflag:s0], s1  }
0x78: {  	s1 =	ssub.s32 @!p0 $0x0, s1;
	[sflag:s0] =	ssyncset.done @!p0 $0x0  }
0x79: {  	[sflag:s0] =	ssyncadd.s32 @!p0 s1  }
0x7a: {  	[bflag:$0x3] =	sbarrier.arrive $0xFFFF  }
0x7b: {  	_ =	shalt  }

</sc_bundles>
